<compile_context>
chip_gen: v7x
topology: tpu7x:2x2x1
jax: 0.10.2.dev20260603
libtpu: 0.0.44.dev20260713+nightly
codegen_flags: <defaults>
</compile_context>

<pallas_src>
import functools

import jax
import jax.numpy as jnp
from jax import lax
from jax.experimental import pallas as pl
from jax.experimental.pallas import tpu as pltpu
from jax.experimental.pallas import tpu_sc as plsc

F = 26
V = 100000
D = 16
B = 16384
L = 16
NC = 2
NS = 16
NW = NC * NS
ROWS_PER_W = (F * D) // NW
OCHUNK = 4096
NCH = B // OCHUNK


@functools.partial(
    pl.kernel,
    mesh=plsc.VectorSubcoreMesh(core_axis_name="c", subcore_axis_name="s"),
    out_type=jax.ShapeDtypeStruct((F * D, B), jnp.float32),
    compiler_params=pltpu.CompilerParams(
        use_tc_tiling_on_sc=True, needs_layout_passes=False),
    scratch_types=[
        pltpu.VMEM((V,), jnp.float32),
        pltpu.VMEM((B,), jnp.int32),
        pltpu.VMEM((OCHUNK,), jnp.float32),
        pltpu.VMEM((OCHUNK,), jnp.float32),
        pltpu.SemaphoreType.DMA,
        pltpu.SemaphoreType.DMA,
    ],
)
def _emb_lookup(x_hbm, tab_hbm, out_hbm, row_v, idx_v, o_v0, o_v1, sem0, sem1):
    wid = lax.axis_index("s") * NC + lax.axis_index("c")

    def task(t, carry):
        r = wid * ROWS_PER_W + t
        f = r // D
        d = r % D
        pltpu.sync_copy(tab_hbm.at[f, d], row_v)
        @pl.when((t == 0) | (f != (r - 1) // D))
        def _stage_idx():
            pltpu.sync_copy(x_hbm.at[f], idx_v)

        for h in range(NCH):
            o_v = o_v0 if h % 2 == 0 else o_v1
            sem = sem0 if h % 2 == 0 else sem1
            dst = out_hbm.at[r, pl.ds(h * OCHUNK, OCHUNK)]

            @pl.when(t * NCH + h >= 2)
            def _wait():
                pltpu.make_async_copy(o_v, dst, sem).wait()

            @plsc.parallel_loop(0, OCHUNK // L, unroll=16)
            def _gather(j):
                s = pl.ds(h * OCHUNK + j * L, L)
                o_v[pl.ds(j * L, L)] = plsc.load_gather(row_v, [idx_v[s]])

            pltpu.async_copy(o_v, dst, sem)
        return carry

    lax.fori_loop(0, ROWS_PER_W, task, 0)
    last = wid * ROWS_PER_W + ROWS_PER_W - 1
    pltpu.make_async_copy(
        o_v0, out_hbm.at[last, pl.ds(0, OCHUNK)], sem0).wait()
    pltpu.make_async_copy(
        o_v1, out_hbm.at[last, pl.ds(0, OCHUNK)], sem1).wait()


def kernel(x, edge_index, tables):
    del edge_index
    x_t = jnp.transpose(x)
    tab_t = jnp.transpose(tables, (0, 2, 1))
    out = _emb_lookup(x_t, tab_t)
    return jnp.transpose(out)

# --- scband reference (transcript-rebuilt; emitter-appended) ---
"""Pipeline reference for scband-ctmp-gin-11819749999036 (READ-ONLY COPY).

The authoritative reference and input builder live on the scoring server;
editing this copy changes nothing except your own understanding.
"""

import jax, jax.numpy as jnp
import numpy as np

NUM_FIELDS = 26
VOCAB = 100000
EMBED_DIM = 16
BATCH = 16384
N_EDGES = 262144

def setup_inputs(seed: int = 0) -> dict:
    key = jax.random.key(seed)
    k1, k2, k3 = jax.random.split(key, 3)
    x = jax.random.randint(k1, (BATCH, NUM_FIELDS), 0, VOCAB, dtype=jnp.int64 if jax.config.jax_enable_x64 else jnp.int32)
    edge_index = jax.random.randint(k2, (2, N_EDGES), 0, BATCH, dtype=jnp.int64 if jax.config.jax_enable_x64 else jnp.int32)
    # Per-column embedding tables (EntityEmbeddingBatch3): one table per sparse field,
    # all col_dims equal so we stack into a single [F, V, D] tensor.
    tables = jax.random.normal(k3, (NUM_FIELDS, VOCAB, EMBED_DIM), dtype=jnp.float32) * 0.05
    return {"x": x, "edge_index": edge_index, "tables": tables}

def reference(x, edge_index, tables):
    # EntityEmbeddingBatch3: embed each categorical column with its own table,
    # then concatenate along the feature axis -> [B, F*D].
    # gather per field: emb[b, f, :] = tables[f, x[b, f], :]
    emb = jax.vmap(lambda tab, idx: jnp.take(tab, idx, axis=0), in_axes=(0, 1), out_axes=1)(tables, x)
    x_embedded = emb.reshape(x.shape[0], NUM_FIELDS * EMBED_DIM)
    return x_embedded

if __name__ == "__main__":
    import jax
    _d = setup_inputs()
    print(jax.jit(kernel)(*tuple(_d.values())))

</pallas_src>

<mosaic_0001>
#map = affine_map<(d0, d1) -> (0, 0)>
#map1 = affine_map<(d0, d1) -> (0, 0, 0)>
module attributes {stable_mosaic.version = 14 : i64} {
  func.func @_emb_lookup(%arg0: i32, %arg1: i32, %arg2: memref<26x16384xi32, #tpu.memory_space<hbm>>, %arg3: memref<26x16x100000xf32, #tpu.memory_space<hbm>>, %arg4: memref<416x16384xf32, #tpu.memory_space<hbm>>, %arg5: memref<100000xf32, #tpu.memory_space<vmem>>, %arg6: memref<16384xi32, #tpu.memory_space<vmem>>, %arg7: memref<4096xf32, #tpu.memory_space<vmem>>, %arg8: memref<4096xf32, #tpu.memory_space<vmem>>, %arg9: memref<!tpu.dma_semaphore, #tpu.memory_space<semaphore_mem>>, %arg10: memref<!tpu.dma_semaphore, #tpu.memory_space<semaphore_mem>>) attributes {dimension_semantics = [#tpu.dimension_semantics<core_parallel>, #tpu.dimension_semantics<subcore_parallel>], iteration_bounds = array<i64: 2, 16>, scalar_prefetch = 0 : i64, scratch_operands = 6 : i64, tpu.core_type = #tpu.core_type<sc_vector_subcore>, window_params = [{transform_indices = #map}, {transform_indices = #map1}, {transform_indices = #map}]} {
    %mul3A = arith.constant 2 : i32
    %mul3A_0 = arith.muli %arg1, %mul3A : i32
    %add3A = arith.addi %mul3A_0, %arg0 : i32
    %scan3A = arith.constant 0 : i32
    %scan3A_1 = arith.constant 0 : i32
    %scan3A_2 = arith.constant 13 : i32
    %scan3A_3 = arith.addi %scan3A_1, %scan3A_2 : i32
    %scan3A_4 = arith.constant 1 : i32
    scf.for %scan3A_22 = %scan3A_1 to %scan3A_3 step %scan3A_4  : i32 {
      %mul3A_23 = arith.constant 13 : i32
      %mul3A_24 = arith.muli %add3A, %mul3A_23 : i32
      %add3A_25 = arith.addi %mul3A_24, %scan3A_22 : i32
      %jit3A = arith.constant 16 : i32
      %div3A = arith.divsi %add3A_25, %jit3A : i32
      %sign3A = arith.constant 0 : i32
      %sign3A_26 = arith.cmpi sgt, %add3A_25, %sign3A : i32
      %sign3A_27 = arith.extui %sign3A_26 : i1 to i32
      %sign3A_28 = arith.constant 0 : i32
      %sign3A_29 = arith.cmpi slt, %add3A_25, %sign3A_28 : i32
      %sign3A_30 = arith.extui %sign3A_29 : i1 to i32
      %sign3A_31 = arith.subi %sign3A_27, %sign3A_30 : i32
      %sign3A_32 = arith.constant 0 : i32
      %sign3A_33 = arith.cmpi sgt, %jit3A, %sign3A_32 : i32
      %sign3A_34 = arith.extui %sign3A_33 : i1 to i32
      %sign3A_35 = arith.constant 0 : i32
      %sign3A_36 = arith.cmpi slt, %jit3A, %sign3A_35 : i32
      %sign3A_37 = arith.extui %sign3A_36 : i1 to i32
      %sign3A_38 = arith.subi %sign3A_34, %sign3A_37 : i32
      %ne3A = arith.cmpi ne, %sign3A_31, %sign3A_38 : i32
      %rem3A = arith.remsi %add3A_25, %jit3A : i32
      %ne3A_39 = arith.constant 0 : i32
      %ne3A_40 = arith.cmpi ne, %rem3A, %ne3A_39 : i32
      %and3A = arith.andi %ne3A, %ne3A_40 : i1
      %sub3A_41 = arith.constant 1 : i32
      %sub3A_42 = arith.subi %div3A, %sub3A_41 : i32
      %select_n3A = arith.select %and3A, %sub3A_42, %div3A : i32
      %jit3A_43 = arith.constant 16 : i32
      %eq3A = arith.constant 0 : i32
      %eq3A_44 = arith.cmpi eq, %jit3A_43, %eq3A : i32
      %jit3A_45 = arith.constant 1 : i32
      %select_n3A_46 = arith.select %eq3A_44, %jit3A_45, %jit3A_43 : i32
      %rem3A_47 = arith.remsi %add3A_25, %select_n3A_46 : i32
      %ne3A_48 = arith.constant 0 : i32
      %ne3A_49 = arith.cmpi ne, %rem3A_47, %ne3A_48 : i32
      %lt3A = arith.constant 0 : i32
      %lt3A_50 = arith.cmpi slt, %rem3A_47, %lt3A : i32
      %lt3A_51 = arith.constant 0 : i32
      %lt3A_52 = arith.cmpi slt, %select_n3A_46, %lt3A_51 : i32
      %ne3A_53 = arith.xori %lt3A_50, %lt3A_52 : i1
      %and3A_54 = arith.andi %ne3A_53, %ne3A_49 : i1
      %add3A_55 = arith.addi %rem3A_47, %select_n3A_46 : i32
      %select_n3A_56 = arith.select %and3A_54, %add3A_55, %rem3A_47 : i32
      "tpu.region"() ({
        %run_scoped3A = tpu.sem_alloc : memref<!tpu.dma_semaphore, #tpu.memory_space<semaphore_mem>>
        %dma_start3A_156 = arith.constant 0 : i32
        %dma_start3A_157 = tpu.memref_slice %arg3[%select_n3A, %select_n3A_56, %dma_start3A_156] : memref<26x16x100000xf32, #tpu.memory_space<hbm>> -> memref<1x1x100000xf32, #tpu.memory_space<hbm>>
        %dma_start3A_158 = tpu.memref_squeeze %dma_start3A_157 : memref<1x1x100000xf32, #tpu.memory_space<hbm>> -> memref<100000xf32, #tpu.memory_space<hbm>>
        %dma_start3A_159 = arith.constant 0 : i32
        %dma_start3A_160 = tpu.memref_slice %arg3[%select_n3A, %select_n3A_56, %dma_start3A_159] : memref<26x16x100000xf32, #tpu.memory_space<hbm>> -> memref<1x1x100000xf32, #tpu.memory_space<hbm>>
        %dma_start3A_161 = tpu.memref_squeeze %dma_start3A_160 : memref<1x1x100000xf32, #tpu.memory_space<hbm>> -> memref<100000xf32, #tpu.memory_space<hbm>>
        tpu.enqueue_dma source(%dma_start3A_161 : memref<100000xf32, #tpu.memory_space<hbm>>) target(%arg5 : memref<100000xf32, #tpu.memory_space<vmem>>) target_semaphore(%run_scoped3A : memref<!tpu.dma_semaphore, #tpu.memory_space<semaphore_mem>>)
        %dma_wait3A_162 = arith.constant 0 : i32
        %dma_wait3A_163 = tpu.memref_slice %arg3[%select_n3A, %select_n3A_56, %dma_wait3A_162] : memref<26x16x100000xf32, #tpu.memory_space<hbm>> -> memref<1x1x100000xf32, #tpu.memory_space<hbm>>
        %dma_wait3A_164 = tpu.memref_squeeze %dma_wait3A_163 : memref<1x1x100000xf32, #tpu.memory_space<hbm>> -> memref<100000xf32, #tpu.memory_space<hbm>>
        %dma_wait3A_165 = arith.constant 0 : i32
        %dma_wait3A_166 = tpu.memref_slice %arg3[%select_n3A, %select_n3A_56, %dma_wait3A_165] : memref<26x16x100000xf32, #tpu.memory_space<hbm>> -> memref<1x1x100000xf32, #tpu.memory_space<hbm>>
        %dma_wait3A_167 = tpu.memref_squeeze %dma_wait3A_166 : memref<1x1x100000xf32, #tpu.memory_space<hbm>> -> memref<100000xf32, #tpu.memory_space<hbm>>
        tpu.wait_dma2 semaphore(%run_scoped3A : memref<!tpu.dma_semaphore, #tpu.memory_space<semaphore_mem>>) src(%dma_wait3A_167 : memref<100000xf32, #tpu.memory_space<hbm>>) dst(%arg5 : memref<100000xf32, #tpu.memory_space<vmem>>)
        tpu.yield
      }) : () -> ()
      %eq3A_57 = arith.constant 0 : i32
      %eq3A_58 = arith.cmpi eq, %scan3A_22, %eq3A_57 : i32
      %sub3A_59 = arith.constant 1 : i32
      %sub3A_60 = arith.subi %add3A_25, %sub3A_59 : i32
      %jit3A_61 = arith.constant 16 : i32
      %div3A_62 = arith.divsi %sub3A_60, %jit3A_61 : i32
      %sign3A_63 = arith.constant 0 : i32
      %sign3A_64 = arith.cmpi sgt, %sub3A_60, %sign3A_63 : i32
      %sign3A_65 = arith.extui %sign3A_64 : i1 to i32
      %sign3A_66 = arith.constant 0 : i32
      %sign3A_67 = arith.cmpi slt, %sub3A_60, %sign3A_66 : i32
      %sign3A_68 = arith.extui %sign3A_67 : i1 to i32
      %sign3A_69 = arith.subi %sign3A_65, %sign3A_68 : i32
      %sign3A_70 = arith.constant 0 : i32
      %sign3A_71 = arith.cmpi sgt, %jit3A_61, %sign3A_70 : i32
      %sign3A_72 = arith.extui %sign3A_71 : i1 to i32
      %sign3A_73 = arith.constant 0 : i32
      %sign3A_74 = arith.cmpi slt, %jit3A_61, %sign3A_73 : i32
      %sign3A_75 = arith.extui %sign3A_74 : i1 to i32
      %sign3A_76 = arith.subi %sign3A_72, %sign3A_75 : i32
      %ne3A_77 = arith.cmpi ne, %sign3A_69, %sign3A_76 : i32
      %rem3A_78 = arith.remsi %sub3A_60, %jit3A_61 : i32
      %ne3A_79 = arith.constant 0 : i32
      %ne3A_80 = arith.cmpi ne, %rem3A_78, %ne3A_79 : i32
      %and3A_81 = arith.andi %ne3A_77, %ne3A_80 : i1
      %sub3A_82 = arith.constant 1 : i32
      %sub3A_83 = arith.subi %div3A_62, %sub3A_82 : i32
      %select_n3A_84 = arith.select %and3A_81, %sub3A_83, %div3A_62 : i32
      %ne3A_85 = arith.cmpi ne, %select_n3A, %select_n3A_84 : i32
      %or3A = arith.ori %eq3A_58, %ne3A_85 : i1
      %convert_element_type3A = arith.extui %or3A : i1 to i32
      %cond3A = arith.constant 0 : i32
      %cond3A_86 = arith.cmpi ne, %convert_element_type3A, %cond3A : i32
      scf.if %cond3A_86 {
        "tpu.region"() ({
          %run_scoped3A = tpu.sem_alloc : memref<!tpu.dma_semaphore, #tpu.memory_space<semaphore_mem>>
          %dma_start3A_156 = arith.constant 0 : i32
          %dma_start3A_157 = tpu.memref_slice %arg2[%select_n3A, %dma_start3A_156] : memref<26x16384xi32, #tpu.memory_space<hbm>> -> memref<1x16384xi32, #tpu.memory_space<hbm>>
          %dma_start3A_158 = tpu.memref_squeeze %dma_start3A_157 : memref<1x16384xi32, #tpu.memory_space<hbm>> -> memref<16384xi32, #tpu.memory_space<hbm>>
          %dma_start3A_159 = arith.constant 0 : i32
          %dma_start3A_160 = tpu.memref_slice %arg2[%select_n3A, %dma_start3A_159] : memref<26x16384xi32, #tpu.memory_space<hbm>> -> memref<1x16384xi32, #tpu.memory_space<hbm>>
          %dma_start3A_161 = tpu.memref_squeeze %dma_start3A_160 : memref<1x16384xi32, #tpu.memory_space<hbm>> -> memref<16384xi32, #tpu.memory_space<hbm>>
          tpu.enqueue_dma source(%dma_start3A_161 : memref<16384xi32, #tpu.memory_space<hbm>>) target(%arg6 : memref<16384xi32, #tpu.memory_space<vmem>>) target_semaphore(%run_scoped3A : memref<!tpu.dma_semaphore, #tpu.memory_space<semaphore_mem>>)
          %dma_wait3A_162 = arith.constant 0 : i32
          %dma_wait3A_163 = tpu.memref_slice %arg2[%select_n3A, %dma_wait3A_162] : memref<26x16384xi32, #tpu.memory_space<hbm>> -> memref<1x16384xi32, #tpu.memory_space<hbm>>
          %dma_wait3A_164 = tpu.memref_squeeze %dma_wait3A_163 : memref<1x16384xi32, #tpu.memory_space<hbm>> -> memref<16384xi32, #tpu.memory_space<hbm>>
          %dma_wait3A_165 = arith.constant 0 : i32
          %dma_wait3A_166 = tpu.memref_slice %arg2[%select_n3A, %dma_wait3A_165] : memref<26x16384xi32, #tpu.memory_space<hbm>> -> memref<1x16384xi32, #tpu.memory_space<hbm>>
          %dma_wait3A_167 = tpu.memref_squeeze %dma_wait3A_166 : memref<1x16384xi32, #tpu.memory_space<hbm>> -> memref<16384xi32, #tpu.memory_space<hbm>>
          tpu.wait_dma2 semaphore(%run_scoped3A : memref<!tpu.dma_semaphore, #tpu.memory_space<semaphore_mem>>) src(%dma_wait3A_167 : memref<16384xi32, #tpu.memory_space<hbm>>) dst(%arg6 : memref<16384xi32, #tpu.memory_space<vmem>>)
          tpu.yield
        }) : () -> ()
      } else {
      }
      %mul3A_87 = arith.constant 4 : i32
      %mul3A_88 = arith.muli %scan3A_22, %mul3A_87 : i32
      %add3A_89 = arith.constant 0 : i32
      %add3A_90 = arith.addi %mul3A_88, %add3A_89 : i32
      %ge3A = arith.constant 2 : i32
      %ge3A_91 = arith.cmpi sge, %add3A_90, %ge3A : i32
      %convert_element_type3A_92 = arith.extui %ge3A_91 : i1 to i32
      %cond3A_93 = arith.constant 0 : i32
      %cond3A_94 = arith.cmpi ne, %convert_element_type3A_92, %cond3A_93 : i32
      scf.if %cond3A_94 {
        %dma_wait3A_156 = arith.constant 0 : i32
        %dma_wait3A_157 = tpu.memref_slice %arg4[%add3A_25, %dma_wait3A_156] : memref<416x16384xf32, #tpu.memory_space<hbm>> -> memref<1x4096xf32, #tpu.memory_space<hbm>>
        %dma_wait3A_158 = tpu.memref_squeeze %dma_wait3A_157 : memref<1x4096xf32, #tpu.memory_space<hbm>> -> memref<4096xf32, #tpu.memory_space<hbm>>
        %dma_wait3A_159 = arith.constant 0 : i32
        %dma_wait3A_160 = tpu.memref_slice %arg4[%add3A_25, %dma_wait3A_159] : memref<416x16384xf32, #tpu.memory_space<hbm>> -> memref<1x4096xf32, #tpu.memory_space<hbm>>
        %dma_wait3A_161 = tpu.memref_squeeze %dma_wait3A_160 : memref<1x4096xf32, #tpu.memory_space<hbm>> -> memref<4096xf32, #tpu.memory_space<hbm>>
        tpu.wait_dma2 semaphore(%arg9 : memref<!tpu.dma_semaphore, #tpu.memory_space<semaphore_mem>>) src(%arg7 : memref<4096xf32, #tpu.memory_space<vmem>>) dst(%dma_wait3A_161 : memref<4096xf32, #tpu.memory_space<hbm>>)
      } else {
      }
      %parallel_loop3A = arith.constant 0 : i32
      %parallel_loop3A_95 = arith.constant 256 : i32
      %parallel_loop3A_96 = arith.constant 1 : i32
      scf.for %parallel_loop3A_156 = %parallel_loop3A to %parallel_loop3A_95 step %parallel_loop3A_96  : i32 {
        %parallel_loop3A_157 = arith.constant 16 : i32
        %parallel_loop3A_158 = arith.muli %parallel_loop3A_156, %parallel_loop3A_157 : i32
        %parallel_loop3A_159 = arith.constant 0 : i32
        %parallel_loop3A_160 = arith.addi %parallel_loop3A_159, %parallel_loop3A_158 : i32
        %parallel_loop3A_161 = arith.index_cast %parallel_loop3A_160 : i32 to index
        %parallel_loop3A_162 = tpu.vector_load %arg6[%parallel_loop3A_161] {strides = array<i32>} : memref<16384xi32, #tpu.memory_space<vmem>>, vector<16xi32>,
        %parallel_loop3A_163 = tpu.vector_load_idx %arg5[%parallel_loop3A_162] : memref<100000xf32, #tpu.memory_space<vmem>>[vector<16xi32>], vector<16xf32>,
        %parallel_loop3A_164 = arith.constant 16 : i32
        %parallel_loop3A_165 = arith.muli %parallel_loop3A_156, %parallel_loop3A_164 : i32
        %parallel_loop3A_166 = arith.index_cast %parallel_loop3A_165 : i32 to index
        %parallel_loop3A_167 = tpu.vector_load %arg7[%parallel_loop3A_166] {strides = array<i32>} : memref<4096xf32, #tpu.memory_space<vmem>>, vector<16xf32>,
        tpu.vector_store %arg7[%parallel_loop3A_166], %parallel_loop3A_163 {strides = array<i32>} : memref<4096xf32, #tpu.memory_space<vmem>>, vector<16xf32>,
      } {sc.loop_unroll_factor = 16 : i64, sc.parallel_access}
      %dma_start3A = arith.constant 0 : i32
      %dma_start3A_97 = tpu.memref_slice %arg4[%add3A_25, %dma_start3A] : memref<416x16384xf32, #tpu.memory_space<hbm>> -> memref<1x4096xf32, #tpu.memory_space<hbm>>
      %dma_start3A_98 = tpu.memref_squeeze %dma_start3A_97 : memref<1x4096xf32, #tpu.memory_space<hbm>> -> memref<4096xf32, #tpu.memory_space<hbm>>
      %dma_start3A_99 = arith.constant 0 : i32
      %dma_start3A_100 = tpu.memref_slice %arg4[%add3A_25, %dma_start3A_99] : memref<416x16384xf32, #tpu.memory_space<hbm>> -> memref<1x4096xf32, #tpu.memory_space<hbm>>
      %dma_start3A_101 = tpu.memref_squeeze %dma_start3A_100 : memref<1x4096xf32, #tpu.memory_space<hbm>> -> memref<4096xf32, #tpu.memory_space<hbm>>
      tpu.enqueue_dma source(%arg7 : memref<4096xf32, #tpu.memory_space<vmem>>) target(%dma_start3A_101 : memref<4096xf32, #tpu.memory_space<hbm>>) target_semaphore(%arg9 : memref<!tpu.dma_semaphore, #tpu.memory_space<semaphore_mem>>)
      %mul3A_102 = arith.constant 4 : i32
      %mul3A_103 = arith.muli %scan3A_22, %mul3A_102 : i32
      %add3A_104 = arith.constant 1 : i32
      %add3A_105 = arith.addi %mul3A_103, %add3A_104 : i32
      %ge3A_106 = arith.constant 2 : i32
      %ge3A_107 = arith.cmpi sge, %add3A_105, %ge3A_106 : i32
      %convert_element_type3A_108 = arith.extui %ge3A_107 : i1 to i32
      %cond3A_109 = arith.constant 0 : i32
      %cond3A_110 = arith.cmpi ne, %convert_element_type3A_108, %cond3A_109 : i32
      scf.if %cond3A_110 {
        %dma_wait3A_156 = arith.constant 4096 : i32
        %dma_wait3A_157 = tpu.memref_slice %arg4[%add3A_25, %dma_wait3A_156] : memref<416x16384xf32, #tpu.memory_space<hbm>> -> memref<1x4096xf32, #tpu.memory_space<hbm>>
        %dma_wait3A_158 = tpu.memref_squeeze %dma_wait3A_157 : memref<1x4096xf32, #tpu.memory_space<hbm>> -> memref<4096xf32, #tpu.memory_space<hbm>>
        %dma_wait3A_159 = arith.constant 4096 : i32
        %dma_wait3A_160 = tpu.memref_slice %arg4[%add3A_25, %dma_wait3A_159] : memref<416x16384xf32, #tpu.memory_space<hbm>> -> memref<1x4096xf32, #tpu.memory_space<hbm>>
        %dma_wait3A_161 = tpu.memref_squeeze %dma_wait3A_160 : memref<1x4096xf32, #tpu.memory_space<hbm>> -> memref<4096xf32, #tpu.memory_space<hbm>>
        tpu.wait_dma2 semaphore(%arg10 : memref<!tpu.dma_semaphore, #tpu.memory_space<semaphore_mem>>) src(%arg8 : memref<4096xf32, #tpu.memory_space<vmem>>) dst(%dma_wait3A_161 : memref<4096xf32, #tpu.memory_space<hbm>>)
      } else {
      }
      %parallel_loop3A_111 = arith.constant 0 : i32
      %parallel_loop3A_112 = arith.constant 256 : i32
      %parallel_loop3A_113 = arith.constant 1 : i32
      scf.for %parallel_loop3A_156 = %parallel_loop3A_111 to %parallel_loop3A_112 step %parallel_loop3A_113  : i32 {
        %parallel_loop3A_157 = arith.constant 16 : i32
        %parallel_loop3A_158 = arith.muli %parallel_loop3A_156, %parallel_loop3A_157 : i32
        %parallel_loop3A_159 = arith.constant 4096 : i32
        %parallel_loop3A_160 = arith.addi %parallel_loop3A_159, %parallel_loop3A_158 : i32
        %parallel_loop3A_161 = arith.index_cast %parallel_loop3A_160 : i32 to index
        %parallel_loop3A_162 = tpu.vector_load %arg6[%parallel_loop3A_161] {strides = array<i32>} : memref<16384xi32, #tpu.memory_space<vmem>>, vector<16xi32>,
        %parallel_loop3A_163 = tpu.vector_load_idx %arg5[%parallel_loop3A_162] : memref<100000xf32, #tpu.memory_space<vmem>>[vector<16xi32>], vector<16xf32>,
        %parallel_loop3A_164 = arith.constant 16 : i32
        %parallel_loop3A_165 = arith.muli %parallel_loop3A_156, %parallel_loop3A_164 : i32
        %parallel_loop3A_166 = arith.index_cast %parallel_loop3A_165 : i32 to index
        %parallel_loop3A_167 = tpu.vector_load %arg8[%parallel_loop3A_166] {strides = array<i32>} : memref<4096xf32, #tpu.memory_space<vmem>>, vector<16xf32>,
        tpu.vector_store %arg8[%parallel_loop3A_166], %parallel_loop3A_163 {strides = array<i32>} : memref<4096xf32, #tpu.memory_space<vmem>>, vector<16xf32>,
      } {sc.loop_unroll_factor = 16 : i64, sc.parallel_access}
      %dma_start3A_114 = arith.constant 4096 : i32
      %dma_start3A_115 = tpu.memref_slice %arg4[%add3A_25, %dma_start3A_114] : memref<416x16384xf32, #tpu.memory_space<hbm>> -> memref<1x4096xf32, #tpu.memory_space<hbm>>
      %dma_start3A_116 = tpu.memref_squeeze %dma_start3A_115 : memref<1x4096xf32, #tpu.memory_space<hbm>> -> memref<4096xf32, #tpu.memory_space<hbm>>
      %dma_start3A_117 = arith.constant 4096 : i32
      %dma_start3A_118 = tpu.memref_slice %arg4[%add3A_25, %dma_start3A_117] : memref<416x16384xf32, #tpu.memory_space<hbm>> -> memref<1x4096xf32, #tpu.memory_space<hbm>>
      %dma_start3A_119 = tpu.memref_squeeze %dma_start3A_118 : memref<1x4096xf32, #tpu.memory_space<hbm>> -> memref<4096xf32, #tpu.memory_space<hbm>>
      tpu.enqueue_dma source(%arg8 : memref<4096xf32, #tpu.memory_space<vmem>>) target(%dma_start3A_119 : memref<4096xf32, #tpu.memory_space<hbm>>) target_semaphore(%arg10 : memref<!tpu.dma_semaphore, #tpu.memory_space<semaphore_mem>>)
      %mul3A_120 = arith.constant 4 : i32
      %mul3A_121 = arith.muli %scan3A_22, %mul3A_120 : i32
      %add3A_122 = arith.constant 2 : i32
      %add3A_123 = arith.addi %mul3A_121, %add3A_122 : i32
      %ge3A_124 = arith.constant 2 : i32
      %ge3A_125 = arith.cmpi sge, %add3A_123, %ge3A_124 : i32
      %convert_element_type3A_126 = arith.extui %ge3A_125 : i1 to i32
      %cond3A_127 = arith.constant 0 : i32
      %cond3A_128 = arith.cmpi ne, %convert_element_type3A_126, %cond3A_127 : i32
      scf.if %cond3A_128 {
        %dma_wait3A_156 = arith.constant 8192 : i32
        %dma_wait3A_157 = tpu.memref_slice %arg4[%add3A_25, %dma_wait3A_156] : memref<416x16384xf32, #tpu.memory_space<hbm>> -> memref<1x4096xf32, #tpu.memory_space<hbm>>
        %dma_wait3A_158 = tpu.memref_squeeze %dma_wait3A_157 : memref<1x4096xf32, #tpu.memory_space<hbm>> -> memref<4096xf32, #tpu.memory_space<hbm>>
        %dma_wait3A_159 = arith.constant 8192 : i32
        %dma_wait3A_160 = tpu.memref_slice %arg4[%add3A_25, %dma_wait3A_159] : memref<416x16384xf32, #tpu.memory_space<hbm>> -> memref<1x4096xf32, #tpu.memory_space<hbm>>
        %dma_wait3A_161 = tpu.memref_squeeze %dma_wait3A_160 : memref<1x4096xf32, #tpu.memory_space<hbm>> -> memref<4096xf32, #tpu.memory_space<hbm>>
        tpu.wait_dma2 semaphore(%arg9 : memref<!tpu.dma_semaphore, #tpu.memory_space<semaphore_mem>>) src(%arg7 : memref<4096xf32, #tpu.memory_space<vmem>>) dst(%dma_wait3A_161 : memref<4096xf32, #tpu.memory_space<hbm>>)
      } else {
      }
      %parallel_loop3A_129 = arith.constant 0 : i32
      %parallel_loop3A_130 = arith.constant 256 : i32
      %parallel_loop3A_131 = arith.constant 1 : i32
      scf.for %parallel_loop3A_156 = %parallel_loop3A_129 to %parallel_loop3A_130 step %parallel_loop3A_131  : i32 {
        %parallel_loop3A_157 = arith.constant 16 : i32
        %parallel_loop3A_158 = arith.muli %parallel_loop3A_156, %parallel_loop3A_157 : i32
        %parallel_loop3A_159 = arith.constant 8192 : i32
        %parallel_loop3A_160 = arith.addi %parallel_loop3A_159, %parallel_loop3A_158 : i32
        %parallel_loop3A_161 = arith.index_cast %parallel_loop3A_160 : i32 to index
        %parallel_loop3A_162 = tpu.vector_load %arg6[%parallel_loop3A_161] {strides = array<i32>} : memref<16384xi32, #tpu.memory_space<vmem>>, vector<16xi32>,
        %parallel_loop3A_163 = tpu.vector_load_idx %arg5[%parallel_loop3A_162] : memref<100000xf32, #tpu.memory_space<vmem>>[vector<16xi32>], vector<16xf32>,
        %parallel_loop3A_164 = arith.constant 16 : i32
        %parallel_loop3A_165 = arith.muli %parallel_loop3A_156, %parallel_loop3A_164 : i32
        %parallel_loop3A_166 = arith.index_cast %parallel_loop3A_165 : i32 to index
        %parallel_loop3A_167 = tpu.vector_load %arg7[%parallel_loop3A_166] {strides = array<i32>} : memref<4096xf32, #tpu.memory_space<vmem>>, vector<16xf32>,
        tpu.vector_store %arg7[%parallel_loop3A_166], %parallel_loop3A_163 {strides = array<i32>} : memref<4096xf32, #tpu.memory_space<vmem>>, vector<16xf32>,
      } {sc.loop_unroll_factor = 16 : i64, sc.parallel_access}
      %dma_start3A_132 = arith.constant 8192 : i32
      %dma_start3A_133 = tpu.memref_slice %arg4[%add3A_25, %dma_start3A_132] : memref<416x16384xf32, #tpu.memory_space<hbm>> -> memref<1x4096xf32, #tpu.memory_space<hbm>>
      %dma_start3A_134 = tpu.memref_squeeze %dma_start3A_133 : memref<1x4096xf32, #tpu.memory_space<hbm>> -> memref<4096xf32, #tpu.memory_space<hbm>>
      %dma_start3A_135 = arith.constant 8192 : i32
      %dma_start3A_136 = tpu.memref_slice %arg4[%add3A_25, %dma_start3A_135] : memref<416x16384xf32, #tpu.memory_space<hbm>> -> memref<1x4096xf32, #tpu.memory_space<hbm>>
      %dma_start3A_137 = tpu.memref_squeeze %dma_start3A_136 : memref<1x4096xf32, #tpu.memory_space<hbm>> -> memref<4096xf32, #tpu.memory_space<hbm>>
      tpu.enqueue_dma source(%arg7 : memref<4096xf32, #tpu.memory_space<vmem>>) target(%dma_start3A_137 : memref<4096xf32, #tpu.memory_space<hbm>>) target_semaphore(%arg9 : memref<!tpu.dma_semaphore, #tpu.memory_space<semaphore_mem>>)
      %mul3A_138 = arith.constant 4 : i32
      %mul3A_139 = arith.muli %scan3A_22, %mul3A_138 : i32
      %add3A_140 = arith.constant 3 : i32
      %add3A_141 = arith.addi %mul3A_139, %add3A_140 : i32
      %ge3A_142 = arith.constant 2 : i32
      %ge3A_143 = arith.cmpi sge, %add3A_141, %ge3A_142 : i32
      %convert_element_type3A_144 = arith.extui %ge3A_143 : i1 to i32
      %cond3A_145 = arith.constant 0 : i32
      %cond3A_146 = arith.cmpi ne, %convert_element_type3A_144, %cond3A_145 : i32
      scf.if %cond3A_146 {
        %dma_wait3A_156 = arith.constant 12288 : i32
        %dma_wait3A_157 = tpu.memref_slice %arg4[%add3A_25, %dma_wait3A_156] : memref<416x16384xf32, #tpu.memory_space<hbm>> -> memref<1x4096xf32, #tpu.memory_space<hbm>>
        %dma_wait3A_158 = tpu.memref_squeeze %dma_wait3A_157 : memref<1x4096xf32, #tpu.memory_space<hbm>> -> memref<4096xf32, #tpu.memory_space<hbm>>
        %dma_wait3A_159 = arith.constant 12288 : i32
        %dma_wait3A_160 = tpu.memref_slice %arg4[%add3A_25, %dma_wait3A_159] : memref<416x16384xf32, #tpu.memory_space<hbm>> -> memref<1x4096xf32, #tpu.memory_space<hbm>>
        %dma_wait3A_161 = tpu.memref_squeeze %dma_wait3A_160 : memref<1x4096xf32, #tpu.memory_space<hbm>> -> memref<4096xf32, #tpu.memory_space<hbm>>
        tpu.wait_dma2 semaphore(%arg10 : memref<!tpu.dma_semaphore, #tpu.memory_space<semaphore_mem>>) src(%arg8 : memref<4096xf32, #tpu.memory_space<vmem>>) dst(%dma_wait3A_161 : memref<4096xf32, #tpu.memory_space<hbm>>)
      } else {
      }
      %parallel_loop3A_147 = arith.constant 0 : i32
      %parallel_loop3A_148 = arith.constant 256 : i32
      %parallel_loop3A_149 = arith.constant 1 : i32
      scf.for %parallel_loop3A_156 = %parallel_loop3A_147 to %parallel_loop3A_148 step %parallel_loop3A_149  : i32 {
        %parallel_loop3A_157 = arith.constant 16 : i32
        %parallel_loop3A_158 = arith.muli %parallel_loop3A_156, %parallel_loop3A_157 : i32
        %parallel_loop3A_159 = arith.constant 12288 : i32
        %parallel_loop3A_160 = arith.addi %parallel_loop3A_159, %parallel_loop3A_158 : i32
        %parallel_loop3A_161 = arith.index_cast %parallel_loop3A_160 : i32 to index
        %parallel_loop3A_162 = tpu.vector_load %arg6[%parallel_loop3A_161] {strides = array<i32>} : memref<16384xi32, #tpu.memory_space<vmem>>, vector<16xi32>,
        %parallel_loop3A_163 = tpu.vector_load_idx %arg5[%parallel_loop3A_162] : memref<100000xf32, #tpu.memory_space<vmem>>[vector<16xi32>], vector<16xf32>,
        %parallel_loop3A_164 = arith.constant 16 : i32
        %parallel_loop3A_165 = arith.muli %parallel_loop3A_156, %parallel_loop3A_164 : i32
        %parallel_loop3A_166 = arith.index_cast %parallel_loop3A_165 : i32 to index
        %parallel_loop3A_167 = tpu.vector_load %arg8[%parallel_loop3A_166] {strides = array<i32>} : memref<4096xf32, #tpu.memory_space<vmem>>, vector<16xf32>,
        tpu.vector_store %arg8[%parallel_loop3A_166], %parallel_loop3A_163 {strides = array<i32>} : memref<4096xf32, #tpu.memory_space<vmem>>, vector<16xf32>,
      } {sc.loop_unroll_factor = 16 : i64, sc.parallel_access}
      %dma_start3A_150 = arith.constant 12288 : i32
      %dma_start3A_151 = tpu.memref_slice %arg4[%add3A_25, %dma_start3A_150] : memref<416x16384xf32, #tpu.memory_space<hbm>> -> memref<1x4096xf32, #tpu.memory_space<hbm>>
      %dma_start3A_152 = tpu.memref_squeeze %dma_start3A_151 : memref<1x4096xf32, #tpu.memory_space<hbm>> -> memref<4096xf32, #tpu.memory_space<hbm>>
      %dma_start3A_153 = arith.constant 12288 : i32
      %dma_start3A_154 = tpu.memref_slice %arg4[%add3A_25, %dma_start3A_153] : memref<416x16384xf32, #tpu.memory_space<hbm>> -> memref<1x4096xf32, #tpu.memory_space<hbm>>
      %dma_start3A_155 = tpu.memref_squeeze %dma_start3A_154 : memref<1x4096xf32, #tpu.memory_space<hbm>> -> memref<4096xf32, #tpu.memory_space<hbm>>
      tpu.enqueue_dma source(%arg8 : memref<4096xf32, #tpu.memory_space<vmem>>) target(%dma_start3A_155 : memref<4096xf32, #tpu.memory_space<hbm>>) target_semaphore(%arg10 : memref<!tpu.dma_semaphore, #tpu.memory_space<semaphore_mem>>)
    }
    %scan3A_5 = arith.constant 13 : i32
    %mul3A_6 = arith.constant 13 : i32
    %mul3A_7 = arith.muli %add3A, %mul3A_6 : i32
    %add3A_8 = arith.constant 13 : i32
    %add3A_9 = arith.addi %mul3A_7, %add3A_8 : i32
    %sub3A = arith.constant 1 : i32
    %sub3A_10 = arith.subi %add3A_9, %sub3A : i32
    %dma_wait3A = arith.constant 0 : i32
    %dma_wait3A_11 = tpu.memref_slice %arg4[%sub3A_10, %dma_wait3A] : memref<416x16384xf32, #tpu.memory_space<hbm>> -> memref<1x4096xf32, #tpu.memory_space<hbm>>
    %dma_wait3A_12 = tpu.memref_squeeze %dma_wait3A_11 : memref<1x4096xf32, #tpu.memory_space<hbm>> -> memref<4096xf32, #tpu.memory_space<hbm>>
    %dma_wait3A_13 = arith.constant 0 : i32
    %dma_wait3A_14 = tpu.memref_slice %arg4[%sub3A_10, %dma_wait3A_13] : memref<416x16384xf32, #tpu.memory_space<hbm>> -> memref<1x4096xf32, #tpu.memory_space<hbm>>
    %dma_wait3A_15 = tpu.memref_squeeze %dma_wait3A_14 : memref<1x4096xf32, #tpu.memory_space<hbm>> -> memref<4096xf32, #tpu.memory_space<hbm>>
    tpu.wait_dma2 semaphore(%arg9 : memref<!tpu.dma_semaphore, #tpu.memory_space<semaphore_mem>>) src(%arg7 : memref<4096xf32, #tpu.memory_space<vmem>>) dst(%dma_wait3A_15 : memref<4096xf32, #tpu.memory_space<hbm>>)
    %dma_wait3A_16 = arith.constant 0 : i32
    %dma_wait3A_17 = tpu.memref_slice %arg4[%sub3A_10, %dma_wait3A_16] : memref<416x16384xf32, #tpu.memory_space<hbm>> -> memref<1x4096xf32, #tpu.memory_space<hbm>>
    %dma_wait3A_18 = tpu.memref_squeeze %dma_wait3A_17 : memref<1x4096xf32, #tpu.memory_space<hbm>> -> memref<4096xf32, #tpu.memory_space<hbm>>
    %dma_wait3A_19 = arith.constant 0 : i32
    %dma_wait3A_20 = tpu.memref_slice %arg4[%sub3A_10, %dma_wait3A_19] : memref<416x16384xf32, #tpu.memory_space<hbm>> -> memref<1x4096xf32, #tpu.memory_space<hbm>>
    %dma_wait3A_21 = tpu.memref_squeeze %dma_wait3A_20 : memref<1x4096xf32, #tpu.memory_space<hbm>> -> memref<4096xf32, #tpu.memory_space<hbm>>
    tpu.wait_dma2 semaphore(%arg10 : memref<!tpu.dma_semaphore, #tpu.memory_space<semaphore_mem>>) src(%arg8 : memref<4096xf32, #tpu.memory_space<vmem>>) dst(%dma_wait3A_21 : memref<4096xf32, #tpu.memory_space<hbm>>)
    return
  }
}

</mosaic_0001>

<sc_bundles>
// kernel: kernel.3.cloned.1.call-start
scs
__scs_entry_jumppad:
0x0: {  	(pc) =	sbr.rel $0x88, $3  }
0x1: {  	(tag) =	ssettag $0x0;
	lr =	simm.s32 $0x1  }
0x2: {  	[smem:$0x3F9F] =	sst lr;
	_ =	strace $0xD0000000  }
0x3: {  	_ = 	snop  }
0x4: {  	_ = 	snop  }
0x5: {  	_ = 	snop  }
0x6: {  	_ = 	snop  }
0x7: {  	_ = 	snop  }
__scs_overlays_trampoline_lowered:
0x8: {  	[smem:$0x3FAE] =	sst s0  }
0x9: {  	[smem:$0x3FAF] =	sst s1  }
0xa: {  	[smem:$0x3FB0] =	sst s2  }
0xb: {  	[smem:$0x3FB1] =	sst s3  }
0xc: {  	[smem:$0x3FB2] =	sst s4  }
0xd: {  	[smem:$0x3FB3] =	sst s5  }
0xe: {  	[smem:$0x3FB4] =	sst s6  }
0xf: {  	[smem:$0x3FB5] =	sst s7  }
0x10: {  	[smem:$0x3FB6] =	sst s8  }
0x11: {  	[smem:$0x3FB7] =	sst s9;
	s0 =	simm.s32 @!p0 $0x0  }
0x12: {  	s1 =	sld [smem:$0x3F9D];
	s0 =	simm.s32 @p0 $0x1  }
0x13: {  	[smem:$0x3FB8] =	sst s0;
	s0 =	simm.s32 @!p1 $0x0  }
0x14: {  	s2 =	sld [smem:$0x3F9C];
	s0 =	simm.s32 @p1 $0x1  }
0x15: {  	[smem:$0x3FB9] =	sst s0;
	s0 =	simm.s32 @!p2 $0x0  }
0x16: {  	s3 =	sld [smem:$0x3FDB];
	s0 =	simm.s32 @p2 $0x1  }
0x17: {  	s4 =	simm.s32 $0x1BF5;
	[smem:$0x3FBB] =	sst s0  }
0x18: {  	s0 =	sld [smem:$0x3F9E];
	_ =	swait.ge [sflag:s4], $0x0  }
0x19: {  	s7 =	sld [smem:$0x3F9F]  }
0x1a: {  	s8 =	sadd.s32 $0xFFFFE003, lr  }
0x1b: {  	s9 =	sadd.s32 $0xFFFFFEF7, lr;
	s5 =	simm.s32 $0xFFFFFFFF;
	p2 =	slt.u32 s8, $0xFFFFF086  }
0x1c: {  	p1 =	slt.u32 s9, $0xF7A;
	s5 =	simm.s32 @!p2 $0x0  }
0x1d: {  	s5 =	simm.s32 @p1 $0x1;
	p0 =	seq.s32 s7, s2  }
0x1e: {  	s7 =	smul.u32 @!p0 $0xF7A, s2;
	p2 =	seq.s32 @!p0 s5, $0x0  }
0x1f: {  	s9 =	smul.u32 $0xF7A, s1;
	s8 =	simm.s32 @!p0 $0x1BF5;
	p2 =	por !p2, p0  }
0x20: {  	[sflag:s8] =	ssyncset.s32 @!p0 $0xFFFFF086;
	s6 =	sadd.s32 @!p0 s3, s7;
	s7 =	simm.s32 @!p0 $0x108  }
0x21: {  	s3 =	sadd.s32 s3, s9;
	s6 =	sadd.s32 @!p0 $0x88, s6;
	s7 =	simm.s32 @p2 $0x1082  }
0x22: {  	[simem:s7], [sflag:s8] =	dma.local @!p0 [hbm:s6], $0xF7A  }
0x23: {  	s9 =	sor.u32 $0xD0000000, s2;
	s6 =	simm.s32 $0x108;
	_ =	swait.ge @!p0 [sflag:s8], $0x0  }
0x24: {  	s3 =	sadd.s32 $0x88, s3;
	s6 =	simm.s32 @!p1 $0x1082;
	[sflag:s4] =	ssyncset.s32 $0xFFFFF086  }
0x25: {  	[simem:s6], [sflag:s4] =	dma.local [hbm:s3], $0xF7A  }
0x26: {  	[smem:$0x3F9F] =	sst s1;
	(tag) =	ssettag s2;
	_ =	strace s9  }
0x27: {  	s1 =	sld [smem:$0x3FAF]  }
0x28: {  	s2 =	sld [smem:$0x3FB0]  }
0x29: {  	s4 =	sld [smem:$0x3FB2]  }
0x2a: {  	p0 =	seq.s32 s5, $0x0;
	s5 =	sld [smem:$0x3FB3]  }
0x2b: {  	s6 =	sld [smem:$0x3FB4]  }
0x2c: {  	s7 =	sld [smem:$0x3FB5]  }
0x2d: {  	s3 =	simm.s32 $0x108;
	s8 =	sld [smem:$0x3FB6]  }
0x2e: {  	s3 =	simm.s32 @!p0 $0x1082;
	s9 =	sld [smem:$0x3FB7]  }
0x2f: {  	lr =	sadd.s32 s0, s3;
	s0 =	sld [smem:$0x3FAE]  }
0x30: {  	s3 =	sld [smem:$0x3FB1]  }
0x31: {  	[smem:$0x3FBA] =	sst s10  }
0x32: {  	s10 =	sld [smem:$0x3FB8];
	_ =	sdelay $0x3  }
0x33: {  	p0 =	seq.s32 s10, $0x1;
	s10 =	sld [smem:$0x3FBA];
	_ =	sdelay $0x3  }
0x34: {  	[smem:$0x3FBA] =	sst s10  }
0x35: {  	s10 =	sld [smem:$0x3FB9];
	_ =	sdelay $0x3  }
0x36: {  	p1 =	seq.s32 s10, $0x1;
	s10 =	sld [smem:$0x3FBA];
	_ =	sdelay $0x3  }
0x37: {  	[smem:$0x3FBA] =	sst s10  }
0x38: {  	s10 =	sld [smem:$0x3FBB]  }
0x39: {  	_ = 	snop;
	(pc) =	sbr.ind lr, $3  }
0x3a: {  	_ = 	snop  }
0x3b: {  	_ = 	snop  }
0x3c: {  	p2 =	seq.s32 s10, $0x1;
	s10 =	sld [smem:$0x3FBA]  }
0x3d: {  	_ =	shalt  }
0x3e: {  	_ =	shalt  }
0x3f: {  	_ =	shalt  }
0x40: {  	_ =	shalt  }
0x41: {  	_ =	shalt  }
0x42: {  	_ =	shalt  }
0x43: {  	_ =	shalt  }
0x44: {  	_ =	shalt  }
0x45: {  	_ =	shalt  }
0x46: {  	_ =	shalt  }
0x47: {  	_ =	shalt  }
0x48: {  	_ =	shalt  }
0x49: {  	_ =	shalt  }
0x4a: {  	_ =	shalt  }
0x4b: {  	_ =	shalt  }
0x4c: {  	_ =	shalt  }
0x4d: {  	_ =	shalt  }
0x4e: {  	_ =	shalt  }
0x4f: {  	_ =	shalt  }
0x50: {  	_ =	shalt  }
0x51: {  	_ =	shalt  }
0x52: {  	_ =	shalt  }
0x53: {  	_ =	shalt  }
0x54: {  	_ =	shalt  }
0x55: {  	_ =	shalt  }
0x56: {  	_ =	shalt  }
0x57: {  	_ =	shalt  }
0x58: {  	_ =	shalt  }
0x59: {  	_ =	shalt  }
0x5a: {  	_ =	shalt  }
0x5b: {  	_ =	shalt  }
0x5c: {  	_ =	shalt  }
0x5d: {  	_ =	shalt  }
0x5e: {  	_ =	shalt  }
0x5f: {  	_ =	shalt  }
0x60: {  	_ =	shalt  }
0x61: {  	_ =	shalt  }
0x62: {  	_ =	shalt  }
0x63: {  	_ =	shalt  }
0x64: {  	_ =	shalt  }
0x65: {  	_ =	shalt  }
0x66: {  	_ =	shalt  }
0x67: {  	_ =	shalt  }
0x68: {  	_ =	shalt  }
0x69: {  	_ =	shalt  }
0x6a: {  	_ =	shalt  }
0x6b: {  	_ =	shalt  }
0x6c: {  	_ =	shalt  }
0x6d: {  	_ =	shalt  }
0x6e: {  	_ =	shalt  }
0x6f: {  	_ =	shalt  }
0x70: {  	_ =	shalt  }
0x71: {  	_ =	shalt  }
0x72: {  	_ =	shalt  }
0x73: {  	_ =	shalt  }
0x74: {  	_ =	shalt  }
0x75: {  	_ =	shalt  }
0x76: {  	_ =	shalt  }
0x77: {  	_ =	shalt  }
0x78: {  	_ =	shalt  }
0x79: {  	_ =	shalt  }
0x7a: {  	_ =	shalt  }
0x7b: {  	_ =	shalt  }
0x7c: {  	_ =	shalt  }
0x7d: {  	_ =	shalt  }
0x7e: {  	_ =	shalt  }
0x7f: {  	_ =	shalt  }
0x80: {  	_ =	shalt  }
0x81: {  	_ =	shalt  }
0x82: {  	_ =	shalt  }
0x83: {  	_ =	shalt  }
0x84: {  	_ =	shalt  }
0x85: {  	_ =	shalt  }
0x86: {  	_ =	shalt  }
0x87: {  	_ =	shalt  }
.Lfunc_end0:
.L_simem_size_0:
called_computation_lowered:
.L_overlay_start_0:
0x88: {  	s2 =	sld [smem:$0x3FD9]  }
0x89: {  	s3 =	sld [smem:$0x3FFE];
	_ =	sdelay $0x1  }
0x8a: {  	s1 =	srdreg.scid  }
0x8b: {  	s0 =	sand.u32 $0x1, s1  }
0x8c: {  	s18 =	sshll.u32 s0, $0xA;
	s2 =	sadd.s32 s3, s2  }
0x8d: {  	s2 =	sadd.s32 s2, s18  }
0x8e: {  	[smem:$0x3FC6] =	sst s2  }
0x8f: {  	_ = 	snop  }
0x90: {  	s2 =	sld [smem:$0x3FC9]  }
0x91: {  	s19 =	sld [smem:$0x3FC8]  }
0x92: {  	s4 =	sld [smem:$0x3FD0];
	(tm) =	ssettm $0x1  }
0x93: {  	s5 =	sld [smem:$0x3FFB];
	_ =	sdelay $0x3  }
0x94: {  	_ =	strace s5  }
0x95: {  	s5 =	sld [smem:$0x3FFC];
	_ =	sdelay $0x3  }
0x96: {  	_ =	strace s5  }
0x97: {  	s5 =	sld [smem:$0x3FFD];
	_ =	sdelay $0x3  }
0x98: {  	_ =	strace s5  }
0x99: {  	_ =	strace $0x8FFFFFFF  }
0x9a: {  	s20 =	sld [smem:$0x3FDB];
	_ =	sdelay $0x1  }
0x9b: {  	s6 =	simm.s32 $_scs_section_size  }
0x9c: {  	s7 =	simm.s32 $_size__tile_overlayer_lowered;
	s8 =	simm.s32 $_tile_overlayer_lowered  }
0x9d: {  	s23 =	simm.s32 $0x1BFF;
	s22 =	sshll.u32 s8, $0x1;
	s5 =	sadd.s32 s6, s20  }
0x9e: {  	s9 =	simm.s32 $0x0;
	s21 =	sshll.u32 s7, $0x1;
	s7 =	sadd.s32 s22, s5  }
0x9f: {  	[timem:s9], [sflag:s23] =	dma.local [hbm:s7], s21  }
0xa0: {  	_ =	swait.ge [sflag:s23], s21  }
0xa1: {  	s6 =	ssub.s32 $0x0, s21;
	[sflag:s23] =	ssyncset.done $0x0  }
0xa2: {  	[sflag:s23] =	ssyncadd.s32 s6;
	_ =	sdelay $0x1  }
0xa3: {  	s24 =	simm.s32 $0x1B8B  }
0xa4: {  	_ =	swait.ge [sflag:s24], $0x1  }
0xa5: {  	[sflag:s24] =	ssyncset.done $0x0  }
0xa6: {  	s25 =	simm.s32 $0x1B8E;
	[sflag:s24] =	ssyncadd.s32 $0xFFFFFFFF  }
0xa7: {  	s26 =	simm.s32 $execute0_lowered;
	[smem:$0x3FD2] =	sst s25  }
0xa8: {  	s6 =	sshll.u32 s26, $0x1;
	_ =	strace $0x80000046;
	[dreg:$0x1] =	wrdreg $0xFFFFFFFF  }
0xa9: {  	s28 =	simm.s32 $_size_execute0_lowered;
	s5 =	sadd.s32 s5, s6;
	[dreg:$0x0] =	wrdreg $0x0  }
0xaa: {  	s6 =	sshll.u32 s28, $0x1;
	[dreg:$0x2] =	wrdreg s5  }
0xab: {  	[dreg:$0x3] =	wrdreg s6  }
0xac: {  	[dreg:$0x4] =	wrdreg $0xC0  }
0xad: {  	_ =	task [dreg:s9], $0x5FFFF  }
0xae: {  	[dreg:$0x1] =	wrdreg $0xFFFFFFFF  }
0xaf: {  	[dreg:$0x0] =	wrdreg $0x60  }
0xb0: {  	[dreg:$0x2] =	wrdreg s2  }
0xb1: {  	[dreg:$0x3] =	wrdreg s19  }
0xb2: {  	[dreg:$0x4] =	wrdreg s4  }
0xb3: {  	[dreg:$0x5] =	wrdreg $0x9  }
0xb4: {  	_ =	task.clear_ibuf [dreg:s9], $0x6FFFF;
	_ =	strace $0x90000046  }
0xb5: {  	s29 =	simm.s32 $0x9;
	_ =	strace $0x80000048  }
0xb6: {  	_ =	swait.ge [sflag:s29], $0x1  }
0xb7: {  	[sflag:s29] =	ssyncadd.s32 $0xFFFFFFFF  }
0xb8: {  	_ =	strace $0x90000048  }
0xb9: {  	_ =	sfence  }
0xba: {  	s30 =	sld [smem:$0x0];
	_ =	sdelay $0x2  }
0xbb: {  	s31 =	sshll.u32 s1, $0xD;
	s1 =	sshrl.u32 s1, $0x2  }
0xbc: {  	s3 =	sand.u32 $0x4000, s31;
	s1 =	sadd.s32 s1, s30  }
0xbd: {  	s0 =	sor.u32 s3, s0;
	s1 =	sshll.u32 s1, $0x11  }
0xbe: {  	s0 =	sor.u32 s1, s0  }
0xbf: {  	s0 =	sadd.s32 $0x8F2B, s0  }
0xc0: {  	[sflag:s0] =	ssyncadd.remote.s32 $0x1  }
0xc1: {  	_ =	sfence.sel $0xFFFF  }
0xc2: {  	[dreg:$0x0] =	wrdreg $0xFFFFFFFF;
	(pc) =	sbr.abs _section_cstart, $3  }
0xc3: {  	[dreg:$0x1] =	wrdreg $0xFFFFFFFF  }
0xc4: {  	_ =	task.clear_ibuf [dreg:s9], $0x2FFFF;
	_ =	strace $0x9FFFFFFF  }
0xc5: {  	(tm) =	ssettm $0x7FFFFFFF  }
tec
execute0_lowered:
.L_overlay_start_1:
0x0: {  	(tag) =	ssettag $0x1  }
0x1: {  	s1 =	rddreg [dreg:$0x0]  }
0x2: {  	s3 =	rddreg [dreg:$0x1]  }
0x3: {  	s4 =	rddreg [dreg:$0x2];
	s5 =	srdreg.scid  }
0x4: {  	s0 =	rddreg [dreg:$0x3];
	s2 =	stileid.u32;
	s11 =	simm.s32 $0x80  }
0x5: {  	s12 =	simm.s32 $0x400;
	s13 =	simm.s32 $0x3;
	s14 =	simm.s32 $0x1  }
0x6: {  	s15 =	simm.s32 $0x1C700;
	s16 =	simm.s32 $0x1D700;
	s17 =	simm.s32 $0x2  }
0x7: {  	s18 =	simm.s32 $0x0;
	s6 =	sand.u32 $0x1, s5;
	s5 =	simm.s32 $0x0  }
0x8: {  	s8 =	sshll.u32 s2, $0x1;
	s7 =	ssub.s32 $0x2, s6;
	[smem:$0x7FF] =	sst s5  }
0x9: {  	s6 =	sor.u32 s6, s8;
	s8 =	sadd.s32 $0x2000, s4;
	s9 =	sshrl.u32 s7, $0x1  }
0xa: {  	_ =	strace $0x80000047;
	s6 =	smul.u32 $0xD, s6;
	s10 =	ssub.s32 s7, s9  }
0xb: {  	s7 =	sadd.s32 $0x1000, s4;
	s9 =	sadd.s32 $0x3000, s4;
	s10 =	smax.u32 s10, $0x1  }
.LBB2_1:
0xc: {  	s19 =	simm.s32 $0x0  }
.LBB2_2:
0xd: {  	s20 =	sadd.s32 s6, s19  }
0xe: {  	s22 =	sshrl.u32 s20, $0x4;
	s21 =	sshll.u32 s20, $0x1C  }
0xf: {  	s23 =	smul.u32 $0x187000, s22;
	s21 =	sshra.s32 s21, $0x1F  }
0x10: {  	s24 =	sshll.u32 s20, $0x7;
	s21 =	sand.u32 $0xC3800, s21  }
0x11: {  	s28 =	sadd.s32 $0xFFFFFFFF, s20;
	s23 =	sadd.s32 s23, s21;
	s21 =	sand.u32 $0x380, s24  }
0x12: {  	p0 =	slt.u32 s20, $0x2;
	s29 =	sand.u32 $0xF, s28;
	s23 =	sor.u32 s21, s23  }
0x13: {  	s25 =	sshra.s32 s28, $0x1F;
	p1 =	sne.s32 s29, $0x0;
	s23 =	sshrl.u32 s23, $0x3  }
0x14: {  	s30 =	sshrl.u32 s25, $0x1C;
	p0 =	por !p0, !p1;
	s23 =	sadd.s32 s3, s23  }
0x15: {  	[tilespmem:s5], [sflag:$0x3] =	stream.strided.gather [hbm4b:s23+s11], $0x18700, s12, s11, $0x38;
	[tilespmem:$0x1E700] =	vst v63  }
0x16: {  	s24 =	simm.s32 $0x1;
	p0 =	por !p0, !p0;
	s23 =	sadd.s32 s30, s28  }
0x17: {  	s24 =	simm.s32 @!p0 $0x0;
	s23 =	sshra.s32 s23, $0x4  }
0x18: {  	p0 =	seq.s32 s19, $0x0;
	s23 =	ssub.s32 s23, s24  }
0x19: {  	_ =	swait.ge [sflag:s13], $0x18700;
	p1 =	seq.s32 @!p0 s22, s23  }
0x1a: {  	[sflag:s13] =	ssyncset.done $0x0;
	p1 =	por p0, !p1  }
0x1b: {  	[sflag:s13] =	ssyncadd.s32 $0xFFFE7900;
	s22 =	sshll.u32 @p1 s22, $0xB;
	s23 =	sand.u32 @p1 $0x70, s20  }
0x1c: {  	s24 =	simm.s32 @p1 $0x400;
	s22 =	sand.u32 @p1 $0xFFFC000, s22;
	s23 =	sadd.s32 @p1 s1, s23  }
0x1d: {  	s25 =	simm.s32 @p1 $0x18700;
	s22 =	sadd.s32 @p1 s22, s23;
	s23 =	simm.s32 @p1 $0x80  }
0x1e: {  	[tilespmem:s25], [sflag:$0x3] =	stream.strided.gather @p1 [hbm4b:s22+s23], $0x4000, s24, s23, $0x38;
	[tilespmem:$0x1E700] =	vst v63  }
0x1f: {  	s22 =	simm.s32 @p1 $0x3  }
0x20: {  	_ =	swait.ge @p1 [sflag:s22], $0x4000  }
0x21: {  	p2 =	seq.s32 @p1 s19, $0x0;
	[sflag:s22] =	ssyncset.done @p1 $0x0  }
0x22: {  	p2 =	por !p1, !p2;
	[sflag:s22] =	ssyncadd.s32 @p1 $0xFFFFC000  }
0x23: {  	_ =	swait.ge @p2 [sflag:s14], $0x1000  }
0x24: {  	[sflag:s14] =	ssyncset.done @p2 $0x0  }
0x25: {  	s31 =	simm.s32 $0x18780;
	[sflag:s14] =	ssyncadd.s32 @p2 $0xFFFFF000  }
0x26: {  	v0 =	vld [tilespmem:s31+$0x70]  }
0x27: {  	v1 =	vld [tilespmem:s31+$0xFFFFFF90]  }
0x28: {  	v2 =	vld [tilespmem:s31+$0xFFFFFFA0]  }
0x29: {  	v3 =	vld [tilespmem:s31+$0xFFFFFFB0]  }
0x2a: {  	v4 =	vld [tilespmem:s31+$0xFFFFFFC0]  }
0x2b: {  	v5 =	vld [tilespmem:s31+$0xFFFFFFD0]  }
0x2c: {  	v6 =	vld [tilespmem:s31+$0xFFFFFFE0]  }
0x2d: {  	v7 =	vld [tilespmem:s31+$0xFFFFFFF0]  }
0x2e: {  	v8 =	vld [tilespmem:s31+$0x0]  }
0x2f: {  	v9 =	vld [tilespmem:s31+$0x10]  }
0x30: {  	v10 =	vld [tilespmem:s31+$0x20]  }
0x31: {  	v11 =	vld [tilespmem:s31+$0x30]  }
0x32: {  	v12 =	vld [tilespmem:s31+$0x40]  }
0x33: {  	v13 =	vld [tilespmem:s31+$0x50]  }
0x34: {  	v14 =	vld [tilespmem:s31+$0x60]  }
0x35: {  	v15 =	vld [tilespmem:s31+$0xFFFFFF80]  }
0x36: {  	v0 =	vld.idx.msk [tilespmem:v0+s5+$0x0], $0xffff  }
0x37: {  	v1 =	vld.idx.msk [tilespmem:v1+s5+$0x0], $0xffff  }
0x38: {  	v2 =	vld.idx.msk [tilespmem:v2+s5+$0x0], $0xffff  }
0x39: {  	v3 =	vld.idx.msk [tilespmem:v3+s5+$0x0], $0xffff  }
0x3a: {  	v4 =	vld.idx.msk [tilespmem:v4+s5+$0x0], $0xffff  }
0x3b: {  	s22 =	simm.s32 $0x1C780;
	v5 =	vld.idx.msk [tilespmem:v5+s5+$0x0], $0xffff  }
0x3c: {  	v6 =	vld.idx.msk [tilespmem:v6+s5+$0x0], $0xffff;
	[tilespmem:s22+$0x70] =	vst v0  }
0x3d: {  	v7 =	vld.idx.msk [tilespmem:v7+s5+$0x0], $0xffff;
	[tilespmem:s22+$0xFFFFFF90] =	vst v1  }
0x3e: {  	v15 =	vld.idx.msk [tilespmem:v15+s5+$0x0], $0xffff;
	[tilespmem:s22+$0xFFFFFFA0] =	vst v2  }
0x3f: {  	v8 =	vld.idx.msk [tilespmem:v8+s5+$0x0], $0xffff;
	[tilespmem:s22+$0xFFFFFFB0] =	vst v3  }
0x40: {  	[tilespmem:s22+$0xFFFFFFC0] =	vst v4;
	v0 =	vld.idx.msk [tilespmem:v9+s5+$0x0], $0xffff  }
0x41: {  	[tilespmem:s22+$0xFFFFFFD0] =	vst v5;
	v1 =	vld.idx.msk [tilespmem:v10+s5+$0x0], $0xffff  }
0x42: {  	[tilespmem:s22+$0xFFFFFFE0] =	vst v6;
	v2 =	vld.idx.msk [tilespmem:v11+s5+$0x0], $0xffff  }
0x43: {  	[tilespmem:s22+$0xFFFFFFF0] =	vst v7;
	v3 =	vld.idx.msk [tilespmem:v12+s5+$0x0], $0xffff  }
0x44: {  	[tilespmem:s22+$0xFFFFFF80] =	vst v15;
	v4 =	vld.idx.msk [tilespmem:v13+s5+$0x0], $0xffff  }
0x45: {  	s23 =	simm.s32 $0x0;
	s24 =	simm.s32 $0x18880;
	[tilespmem:s22+$0x0] =	vst v8;
	v5 =	vld.idx.msk [tilespmem:v14+s5+$0x0], $0xffff  }
.LBB2_3:
0x46: {  	v6 =	vld [tilespmem:s24+$0x70];
	s23 =	sadd.s32 $0x10, s23;
	[tilespmem:s22+$0x10] =	vst v0  }
0x47: {  	v0 =	vld [tilespmem:s24+$0xFFFFFF90];
	p1 =	slt.u32 s23, $0xF0;
	[tilespmem:s22+$0x20] =	vst v1  }
0x48: {  	v1 =	vld [tilespmem:s24+$0xFFFFFFA0];
	[tilespmem:s22+$0x30] =	vst v2  }
0x49: {  	v2 =	vld [tilespmem:s24+$0xFFFFFFB0];
	[tilespmem:s22+$0x40] =	vst v3  }
0x4a: {  	v3 =	vld [tilespmem:s24+$0xFFFFFFC0];
	[tilespmem:s22+$0x50] =	vst v4  }
0x4b: {  	v4 =	vld [tilespmem:s24+$0xFFFFFFD0];
	[tilespmem:s22+$0x60] =	vst v5  }
0x4c: {  	v5 =	vld [tilespmem:s24+$0xFFFFFFE0]  }
0x4d: {  	v7 =	vld [tilespmem:s24+$0xFFFFFFF0]  }
0x4e: {  	v6 =	vld.idx.msk [tilespmem:v6+s5+$0x0], $0xffff  }
0x4f: {  	v8 =	vld [tilespmem:s24+$0x0]  }
0x50: {  	v9 =	vld [tilespmem:s24+$0x10]  }
0x51: {  	v10 =	vld [tilespmem:s24+$0x20]  }
0x52: {  	v11 =	vld [tilespmem:s24+$0x30]  }
0x53: {  	s22 =	sadd.s32 $0x100, s22;
	v12 =	vld [tilespmem:s24+$0x40]  }
0x54: {  	v13 =	vld [tilespmem:s24+$0x50];
	[tilespmem:s22+$0x70] =	vst v6  }
0x55: {  	v6 =	vld [tilespmem:s24+$0x60]  }
0x56: {  	v14 =	vld [tilespmem:s24+$0xFFFFFF80]  }
0x57: {  	v0 =	vld.idx.msk [tilespmem:v0+s5+$0x0], $0xffff  }
0x58: {  	v1 =	vld.idx.msk [tilespmem:v1+s5+$0x0], $0xffff  }
0x59: {  	v2 =	vld.idx.msk [tilespmem:v2+s5+$0x0], $0xffff  }
0x5a: {  	v3 =	vld.idx.msk [tilespmem:v3+s5+$0x0], $0xffff  }
0x5b: {  	v4 =	vld.idx.msk [tilespmem:v4+s5+$0x0], $0xffff  }
0x5c: {  	v5 =	vld.idx.msk [tilespmem:v5+s5+$0x0], $0xffff  }
0x5d: {  	[tilespmem:s22+$0xFFFFFF90] =	vst v0;
	v7 =	vld.idx.msk [tilespmem:v7+s5+$0x0], $0xffff  }
0x5e: {  	v14 =	vld.idx.msk [tilespmem:v14+s5+$0x0], $0xffff;
	[tilespmem:s22+$0xFFFFFFA0] =	vst v1  }
0x5f: {  	[tilespmem:s22+$0xFFFFFFB0] =	vst v2;
	v8 =	vld.idx.msk [tilespmem:v8+s5+$0x0], $0xffff  }
0x60: {  	[tilespmem:s22+$0xFFFFFFC0] =	vst v3;
	v0 =	vld.idx.msk [tilespmem:v9+s5+$0x0], $0xffff  }
.Ltmp0:
0x61: {  	[tilespmem:s22+$0xFFFFFFD0] =	vst v4;
	v1 =	vld.idx.msk [tilespmem:v10+s5+$0x0], $0xffff;
	(pc) =	sbr.rel @p1 .LBB2_3-.Ltmp0, $4  }
0x62: {  	[tilespmem:s22+$0xFFFFFFE0] =	vst v5;
	v2 =	vld.idx.msk [tilespmem:v11+s5+$0x0], $0xffff  }
0x63: {  	[tilespmem:s22+$0xFFFFFFF0] =	vst v7;
	v3 =	vld.idx.msk [tilespmem:v12+s5+$0x0], $0xffff  }
0x64: {  	[tilespmem:s22+$0xFFFFFF80] =	vst v14;
	v4 =	vld.idx.msk [tilespmem:v13+s5+$0x0], $0xffff  }
0x65: {  	s24 =	sadd.s32 $0x100, s24;
	[tilespmem:s22+$0x0] =	vst v8;
	v5 =	vld.idx.msk [tilespmem:v6+s5+$0x0], $0xffff  }
0x66: {  	[tilespmem:s22+$0x10] =	vst v0  }
0x67: {  	[tilespmem:s22+$0x20] =	vst v1;
	s20 =	sshll.u32 s20, $0xE  }
0x68: {  	[tilespmem:s22+$0x30] =	vst v2;
	s20 =	sand.u32 $0x7FFE0000, s20  }
0x69: {  	[tilespmem:s22+$0x40] =	vst v3;
	s20 =	sor.u32 s21, s20  }
0x6a: {  	[tilespmem:s22+$0x50] =	vst v4;
	s20 =	sshrl.u32 s20, $0x3  }
0x6b: {  	s21 =	simm.s32 @!p0 $0x2;
	[tilespmem:s22+$0x60] =	vst v5;
	s30 =	sadd.s32 s4, s20  }
0x6c: {  	[hbm4b:s30+s11] =	stream.strided.scatter [tilespmem:s15], [sflag:$0x1], $0x1000, s12, s11, $0x38;
	[tilespmem:$0x1E700] =	vst v63  }
0x6d: {  	_ =	swait.ge @!p0 [sflag:s21], $0x1000  }
0x6e: {  	[sflag:s21] =	ssyncset.done @!p0 $0x0  }
0x6f: {  	s31 =	simm.s32 $0x197F0;
	[sflag:s21] =	ssyncadd.s32 @!p0 $0xFFFFF000  }
0x70: {  	v0 =	vld [tilespmem:s31+$0x0]  }
0x71: {  	v1 =	vld [tilespmem:s31+$0xFFFFFF20]  }
0x72: {  	v2 =	vld [tilespmem:s31+$0xFFFFFF30]  }
0x73: {  	v3 =	vld [tilespmem:s31+$0xFFFFFF40]  }
0x74: {  	v4 =	vld [tilespmem:s31+$0xFFFFFF50]  }
0x75: {  	v5 =	vld [tilespmem:s31+$0xFFFFFF60]  }
0x76: {  	v6 =	vld [tilespmem:s31+$0xFFFFFF70]  }
0x77: {  	v7 =	vld [tilespmem:s31+$0xFFFFFF80]  }
0x78: {  	v8 =	vld [tilespmem:s31+$0xFFFFFF90]  }
0x79: {  	v9 =	vld [tilespmem:s31+$0xFFFFFFA0]  }
0x7a: {  	v10 =	vld [tilespmem:s31+$0xFFFFFFB0]  }
0x7b: {  	v11 =	vld [tilespmem:s31+$0xFFFFFFC0]  }
0x7c: {  	v12 =	vld [tilespmem:s31+$0xFFFFFFD0]  }
0x7d: {  	v13 =	vld [tilespmem:s31+$0xFFFFFFE0]  }
0x7e: {  	v14 =	vld [tilespmem:s31+$0xFFFFFFF0]  }
0x7f: {  	v15 =	vld [tilespmem:s31+$0xFFFFFF10]  }
0x80: {  	v0 =	vld.idx.msk [tilespmem:v0+s5+$0x0], $0xffff  }
0x81: {  	v1 =	vld.idx.msk [tilespmem:v1+s5+$0x0], $0xffff  }
0x82: {  	v2 =	vld.idx.msk [tilespmem:v2+s5+$0x0], $0xffff  }
0x83: {  	v3 =	vld.idx.msk [tilespmem:v3+s5+$0x0], $0xffff  }
0x84: {  	v4 =	vld.idx.msk [tilespmem:v4+s5+$0x0], $0xffff  }
0x85: {  	s21 =	simm.s32 $0x1D780;
	v5 =	vld.idx.msk [tilespmem:v5+s5+$0x0], $0xffff  }
0x86: {  	v6 =	vld.idx.msk [tilespmem:v6+s5+$0x0], $0xffff;
	[tilespmem:s21+$0x70] =	vst v0  }
0x87: {  	v7 =	vld.idx.msk [tilespmem:v7+s5+$0x0], $0xffff;
	[tilespmem:s21+$0xFFFFFF90] =	vst v1  }
0x88: {  	v15 =	vld.idx.msk [tilespmem:v15+s5+$0x0], $0xffff;
	[tilespmem:s21+$0xFFFFFFA0] =	vst v2  }
0x89: {  	v8 =	vld.idx.msk [tilespmem:v8+s5+$0x0], $0xffff;
	[tilespmem:s21+$0xFFFFFFB0] =	vst v3  }
0x8a: {  	[tilespmem:s21+$0xFFFFFFC0] =	vst v4;
	v0 =	vld.idx.msk [tilespmem:v9+s5+$0x0], $0xffff  }
0x8b: {  	[tilespmem:s21+$0xFFFFFFD0] =	vst v5;
	v1 =	vld.idx.msk [tilespmem:v10+s5+$0x0], $0xffff  }
0x8c: {  	[tilespmem:s21+$0xFFFFFFE0] =	vst v6;
	v2 =	vld.idx.msk [tilespmem:v11+s5+$0x0], $0xffff  }
0x8d: {  	[tilespmem:s21+$0xFFFFFFF0] =	vst v7;
	v3 =	vld.idx.msk [tilespmem:v12+s5+$0x0], $0xffff  }
0x8e: {  	[tilespmem:s21+$0xFFFFFF80] =	vst v15;
	v4 =	vld.idx.msk [tilespmem:v13+s5+$0x0], $0xffff  }
0x8f: {  	s23 =	simm.s32 $0x198F0;
	s22 =	simm.s32 $0x0;
	[tilespmem:s21+$0x0] =	vst v8;
	v5 =	vld.idx.msk [tilespmem:v14+s5+$0x0], $0xffff  }
.LBB2_5:
0x90: {  	v6 =	vld [tilespmem:s23+$0x0];
	s22 =	sadd.s32 $0x10, s22;
	[tilespmem:s21+$0x10] =	vst v0  }
0x91: {  	v0 =	vld [tilespmem:s23+$0xFFFFFF20];
	p0 =	slt.u32 s22, $0xF0;
	[tilespmem:s21+$0x20] =	vst v1  }
0x92: {  	v1 =	vld [tilespmem:s23+$0xFFFFFF30];
	[tilespmem:s21+$0x30] =	vst v2  }
0x93: {  	v2 =	vld [tilespmem:s23+$0xFFFFFF40];
	[tilespmem:s21+$0x40] =	vst v3  }
0x94: {  	v3 =	vld [tilespmem:s23+$0xFFFFFF50];
	[tilespmem:s21+$0x50] =	vst v4  }
0x95: {  	v4 =	vld [tilespmem:s23+$0xFFFFFF60];
	[tilespmem:s21+$0x60] =	vst v5  }
0x96: {  	v5 =	vld [tilespmem:s23+$0xFFFFFF70]  }
0x97: {  	v7 =	vld [tilespmem:s23+$0xFFFFFF80]  }
0x98: {  	v6 =	vld.idx.msk [tilespmem:v6+s5+$0x0], $0xffff  }
0x99: {  	v8 =	vld [tilespmem:s23+$0xFFFFFF90]  }
0x9a: {  	v9 =	vld [tilespmem:s23+$0xFFFFFFA0]  }
0x9b: {  	v10 =	vld [tilespmem:s23+$0xFFFFFFB0]  }
0x9c: {  	v11 =	vld [tilespmem:s23+$0xFFFFFFC0]  }
0x9d: {  	s21 =	sadd.s32 $0x100, s21;
	v12 =	vld [tilespmem:s23+$0xFFFFFFD0]  }
0x9e: {  	v13 =	vld [tilespmem:s23+$0xFFFFFFE0];
	[tilespmem:s21+$0x70] =	vst v6  }
0x9f: {  	v6 =	vld [tilespmem:s23+$0xFFFFFFF0]  }
0xa0: {  	v14 =	vld [tilespmem:s23+$0xFFFFFF10]  }
0xa1: {  	v0 =	vld.idx.msk [tilespmem:v0+s5+$0x0], $0xffff  }
0xa2: {  	v1 =	vld.idx.msk [tilespmem:v1+s5+$0x0], $0xffff  }
0xa3: {  	v2 =	vld.idx.msk [tilespmem:v2+s5+$0x0], $0xffff  }
0xa4: {  	v3 =	vld.idx.msk [tilespmem:v3+s5+$0x0], $0xffff  }
0xa5: {  	v4 =	vld.idx.msk [tilespmem:v4+s5+$0x0], $0xffff  }
0xa6: {  	v5 =	vld.idx.msk [tilespmem:v5+s5+$0x0], $0xffff  }
0xa7: {  	[tilespmem:s21+$0xFFFFFF90] =	vst v0;
	v7 =	vld.idx.msk [tilespmem:v7+s5+$0x0], $0xffff  }
0xa8: {  	v14 =	vld.idx.msk [tilespmem:v14+s5+$0x0], $0xffff;
	[tilespmem:s21+$0xFFFFFFA0] =	vst v1  }
0xa9: {  	[tilespmem:s21+$0xFFFFFFB0] =	vst v2;
	v8 =	vld.idx.msk [tilespmem:v8+s5+$0x0], $0xffff  }
0xaa: {  	[tilespmem:s21+$0xFFFFFFC0] =	vst v3;
	v0 =	vld.idx.msk [tilespmem:v9+s5+$0x0], $0xffff  }
.Ltmp1:
0xab: {  	[tilespmem:s21+$0xFFFFFFD0] =	vst v4;
	v1 =	vld.idx.msk [tilespmem:v10+s5+$0x0], $0xffff;
	(pc) =	sbr.rel @p0 .LBB2_5-.Ltmp1, $4  }
0xac: {  	[tilespmem:s21+$0xFFFFFFE0] =	vst v5;
	v2 =	vld.idx.msk [tilespmem:v11+s5+$0x0], $0xffff  }
0xad: {  	[tilespmem:s21+$0xFFFFFFF0] =	vst v7;
	v3 =	vld.idx.msk [tilespmem:v12+s5+$0x0], $0xffff  }
0xae: {  	[tilespmem:s21+$0xFFFFFF80] =	vst v14;
	v4 =	vld.idx.msk [tilespmem:v13+s5+$0x0], $0xffff  }
0xaf: {  	s23 =	sadd.s32 $0x100, s23;
	[tilespmem:s21+$0x0] =	vst v8;
	v5 =	vld.idx.msk [tilespmem:v6+s5+$0x0], $0xffff  }
0xb0: {  	[tilespmem:s21+$0x10] =	vst v0  }
0xb1: {  	[tilespmem:s21+$0x20] =	vst v1  }
0xb2: {  	[tilespmem:s21+$0x30] =	vst v2  }
0xb3: {  	[tilespmem:s21+$0x40] =	vst v3  }
0xb4: {  	[tilespmem:s21+$0x50] =	vst v4  }
0xb5: {  	s30 =	sadd.s32 s20, s7;
	[tilespmem:s21+$0x60] =	vst v5  }
0xb6: {  	[hbm4b:s30+s11] =	stream.strided.scatter [tilespmem:s16], [sflag:$0x2], $0x1000, s12, s11, $0x38;
	[tilespmem:$0x1E700] =	vst v63  }
0xb7: {  	_ =	swait.ge [sflag:s14], $0x1000  }
0xb8: {  	[sflag:s14] =	ssyncset.done $0x0  }
0xb9: {  	s31 =	simm.s32 $0x1A7F0;
	[sflag:s14] =	ssyncadd.s32 $0xFFFFF000  }
0xba: {  	v0 =	vld [tilespmem:s31+$0x0]  }
0xbb: {  	v1 =	vld [tilespmem:s31+$0xFFFFFF20]  }
0xbc: {  	v2 =	vld [tilespmem:s31+$0xFFFFFF30]  }
0xbd: {  	v3 =	vld [tilespmem:s31+$0xFFFFFF40]  }
0xbe: {  	v4 =	vld [tilespmem:s31+$0xFFFFFF50]  }
0xbf: {  	v5 =	vld [tilespmem:s31+$0xFFFFFF60]  }
0xc0: {  	v6 =	vld [tilespmem:s31+$0xFFFFFF70]  }
0xc1: {  	v7 =	vld [tilespmem:s31+$0xFFFFFF80]  }
0xc2: {  	v8 =	vld [tilespmem:s31+$0xFFFFFF90]  }
0xc3: {  	v9 =	vld [tilespmem:s31+$0xFFFFFFA0]  }
0xc4: {  	v10 =	vld [tilespmem:s31+$0xFFFFFFB0]  }
0xc5: {  	v11 =	vld [tilespmem:s31+$0xFFFFFFC0]  }
0xc6: {  	v12 =	vld [tilespmem:s31+$0xFFFFFFD0]  }
0xc7: {  	v13 =	vld [tilespmem:s31+$0xFFFFFFE0]  }
0xc8: {  	v14 =	vld [tilespmem:s31+$0xFFFFFFF0]  }
0xc9: {  	v15 =	vld [tilespmem:s31+$0xFFFFFF10]  }
0xca: {  	v0 =	vld.idx.msk [tilespmem:v0+s5+$0x0], $0xffff  }
0xcb: {  	v1 =	vld.idx.msk [tilespmem:v1+s5+$0x0], $0xffff  }
0xcc: {  	v2 =	vld.idx.msk [tilespmem:v2+s5+$0x0], $0xffff  }
0xcd: {  	v3 =	vld.idx.msk [tilespmem:v3+s5+$0x0], $0xffff  }
0xce: {  	v4 =	vld.idx.msk [tilespmem:v4+s5+$0x0], $0xffff  }
0xcf: {  	s21 =	simm.s32 $0x1C780;
	v5 =	vld.idx.msk [tilespmem:v5+s5+$0x0], $0xffff  }
0xd0: {  	v6 =	vld.idx.msk [tilespmem:v6+s5+$0x0], $0xffff;
	[tilespmem:s21+$0x70] =	vst v0  }
0xd1: {  	v7 =	vld.idx.msk [tilespmem:v7+s5+$0x0], $0xffff;
	[tilespmem:s21+$0xFFFFFF90] =	vst v1  }
0xd2: {  	v15 =	vld.idx.msk [tilespmem:v15+s5+$0x0], $0xffff;
	[tilespmem:s21+$0xFFFFFFA0] =	vst v2  }
0xd3: {  	v8 =	vld.idx.msk [tilespmem:v8+s5+$0x0], $0xffff;
	[tilespmem:s21+$0xFFFFFFB0] =	vst v3  }
0xd4: {  	[tilespmem:s21+$0xFFFFFFC0] =	vst v4;
	v0 =	vld.idx.msk [tilespmem:v9+s5+$0x0], $0xffff  }
0xd5: {  	[tilespmem:s21+$0xFFFFFFD0] =	vst v5;
	v1 =	vld.idx.msk [tilespmem:v10+s5+$0x0], $0xffff  }
0xd6: {  	[tilespmem:s21+$0xFFFFFFE0] =	vst v6;
	v2 =	vld.idx.msk [tilespmem:v11+s5+$0x0], $0xffff  }
0xd7: {  	[tilespmem:s21+$0xFFFFFFF0] =	vst v7;
	v3 =	vld.idx.msk [tilespmem:v12+s5+$0x0], $0xffff  }
0xd8: {  	[tilespmem:s21+$0xFFFFFF80] =	vst v15;
	v4 =	vld.idx.msk [tilespmem:v13+s5+$0x0], $0xffff  }
0xd9: {  	s22 =	simm.s32 $0x0;
	s23 =	simm.s32 $0x1A8F0;
	[tilespmem:s21+$0x0] =	vst v8;
	v5 =	vld.idx.msk [tilespmem:v14+s5+$0x0], $0xffff  }
.LBB2_7:
0xda: {  	v6 =	vld [tilespmem:s23+$0x0];
	s22 =	sadd.s32 $0x10, s22;
	[tilespmem:s21+$0x10] =	vst v0  }
0xdb: {  	v0 =	vld [tilespmem:s23+$0xFFFFFF20];
	p0 =	slt.u32 s22, $0xF0;
	[tilespmem:s21+$0x20] =	vst v1  }
0xdc: {  	v1 =	vld [tilespmem:s23+$0xFFFFFF30];
	[tilespmem:s21+$0x30] =	vst v2  }
0xdd: {  	v2 =	vld [tilespmem:s23+$0xFFFFFF40];
	[tilespmem:s21+$0x40] =	vst v3  }
0xde: {  	v3 =	vld [tilespmem:s23+$0xFFFFFF50];
	[tilespmem:s21+$0x50] =	vst v4  }
0xdf: {  	v4 =	vld [tilespmem:s23+$0xFFFFFF60];
	[tilespmem:s21+$0x60] =	vst v5  }
0xe0: {  	v5 =	vld [tilespmem:s23+$0xFFFFFF70]  }
0xe1: {  	v7 =	vld [tilespmem:s23+$0xFFFFFF80]  }
0xe2: {  	v6 =	vld.idx.msk [tilespmem:v6+s5+$0x0], $0xffff  }
0xe3: {  	v8 =	vld [tilespmem:s23+$0xFFFFFF90]  }
0xe4: {  	v9 =	vld [tilespmem:s23+$0xFFFFFFA0]  }
0xe5: {  	v10 =	vld [tilespmem:s23+$0xFFFFFFB0]  }
0xe6: {  	v11 =	vld [tilespmem:s23+$0xFFFFFFC0]  }
0xe7: {  	s21 =	sadd.s32 $0x100, s21;
	v12 =	vld [tilespmem:s23+$0xFFFFFFD0]  }
0xe8: {  	v13 =	vld [tilespmem:s23+$0xFFFFFFE0];
	[tilespmem:s21+$0x70] =	vst v6  }
0xe9: {  	v6 =	vld [tilespmem:s23+$0xFFFFFFF0]  }
0xea: {  	v14 =	vld [tilespmem:s23+$0xFFFFFF10]  }
0xeb: {  	v0 =	vld.idx.msk [tilespmem:v0+s5+$0x0], $0xffff  }
0xec: {  	v1 =	vld.idx.msk [tilespmem:v1+s5+$0x0], $0xffff  }
0xed: {  	v2 =	vld.idx.msk [tilespmem:v2+s5+$0x0], $0xffff  }
0xee: {  	v3 =	vld.idx.msk [tilespmem:v3+s5+$0x0], $0xffff  }
0xef: {  	v4 =	vld.idx.msk [tilespmem:v4+s5+$0x0], $0xffff  }
0xf0: {  	v5 =	vld.idx.msk [tilespmem:v5+s5+$0x0], $0xffff  }
0xf1: {  	[tilespmem:s21+$0xFFFFFF90] =	vst v0;
	v7 =	vld.idx.msk [tilespmem:v7+s5+$0x0], $0xffff  }
0xf2: {  	v14 =	vld.idx.msk [tilespmem:v14+s5+$0x0], $0xffff;
	[tilespmem:s21+$0xFFFFFFA0] =	vst v1  }
0xf3: {  	[tilespmem:s21+$0xFFFFFFB0] =	vst v2;
	v8 =	vld.idx.msk [tilespmem:v8+s5+$0x0], $0xffff  }
0xf4: {  	[tilespmem:s21+$0xFFFFFFC0] =	vst v3;
	v0 =	vld.idx.msk [tilespmem:v9+s5+$0x0], $0xffff  }
.Ltmp2:
0xf5: {  	[tilespmem:s21+$0xFFFFFFD0] =	vst v4;
	v1 =	vld.idx.msk [tilespmem:v10+s5+$0x0], $0xffff;
	(pc) =	sbr.rel @p0 .LBB2_7-.Ltmp2, $4  }
0xf6: {  	[tilespmem:s21+$0xFFFFFFE0] =	vst v5;
	v2 =	vld.idx.msk [tilespmem:v11+s5+$0x0], $0xffff  }
0xf7: {  	[tilespmem:s21+$0xFFFFFFF0] =	vst v7;
	v3 =	vld.idx.msk [tilespmem:v12+s5+$0x0], $0xffff  }
0xf8: {  	[tilespmem:s21+$0xFFFFFF80] =	vst v14;
	v4 =	vld.idx.msk [tilespmem:v13+s5+$0x0], $0xffff  }
0xf9: {  	s23 =	sadd.s32 $0x100, s23;
	[tilespmem:s21+$0x0] =	vst v8;
	v5 =	vld.idx.msk [tilespmem:v6+s5+$0x0], $0xffff  }
0xfa: {  	[tilespmem:s21+$0x10] =	vst v0  }
0xfb: {  	[tilespmem:s21+$0x20] =	vst v1  }
0xfc: {  	[tilespmem:s21+$0x30] =	vst v2  }
0xfd: {  	[tilespmem:s21+$0x40] =	vst v3  }
0xfe: {  	[tilespmem:s21+$0x50] =	vst v4  }
0xff: {  	s30 =	sadd.s32 s20, s8;
	[tilespmem:s21+$0x60] =	vst v5  }
0x100: {  	[hbm4b:s30+s11] =	stream.strided.scatter [tilespmem:s15], [sflag:$0x1], $0x1000, s12, s11, $0x38;
	[tilespmem:$0x1E700] =	vst v63  }
0x101: {  	_ =	swait.ge [sflag:s17], $0x1000  }
0x102: {  	[sflag:s17] =	ssyncset.done $0x0  }
0x103: {  	s31 =	simm.s32 $0x1B7F0;
	[sflag:s17] =	ssyncadd.s32 $0xFFFFF000  }
0x104: {  	v0 =	vld [tilespmem:s31+$0x0]  }
0x105: {  	v1 =	vld [tilespmem:s31+$0xFFFFFF20]  }
0x106: {  	v2 =	vld [tilespmem:s31+$0xFFFFFF30]  }
0x107: {  	v3 =	vld [tilespmem:s31+$0xFFFFFF40]  }
0x108: {  	v4 =	vld [tilespmem:s31+$0xFFFFFF50]  }
0x109: {  	v5 =	vld [tilespmem:s31+$0xFFFFFF60]  }
0x10a: {  	v6 =	vld [tilespmem:s31+$0xFFFFFF70]  }
0x10b: {  	v7 =	vld [tilespmem:s31+$0xFFFFFF80]  }
0x10c: {  	v8 =	vld [tilespmem:s31+$0xFFFFFF90]  }
0x10d: {  	v9 =	vld [tilespmem:s31+$0xFFFFFFA0]  }
0x10e: {  	v10 =	vld [tilespmem:s31+$0xFFFFFFB0]  }
0x10f: {  	v11 =	vld [tilespmem:s31+$0xFFFFFFC0]  }
0x110: {  	v12 =	vld [tilespmem:s31+$0xFFFFFFD0]  }
0x111: {  	v13 =	vld [tilespmem:s31+$0xFFFFFFE0]  }
0x112: {  	v14 =	vld [tilespmem:s31+$0xFFFFFFF0]  }
0x113: {  	v15 =	vld [tilespmem:s31+$0xFFFFFF10]  }
0x114: {  	v0 =	vld.idx.msk [tilespmem:v0+s5+$0x0], $0xffff  }
0x115: {  	v1 =	vld.idx.msk [tilespmem:v1+s5+$0x0], $0xffff  }
0x116: {  	v2 =	vld.idx.msk [tilespmem:v2+s5+$0x0], $0xffff  }
0x117: {  	v3 =	vld.idx.msk [tilespmem:v3+s5+$0x0], $0xffff  }
0x118: {  	v4 =	vld.idx.msk [tilespmem:v4+s5+$0x0], $0xffff  }
0x119: {  	s21 =	simm.s32 $0x1D780;
	v5 =	vld.idx.msk [tilespmem:v5+s5+$0x0], $0xffff  }
0x11a: {  	v6 =	vld.idx.msk [tilespmem:v6+s5+$0x0], $0xffff;
	[tilespmem:s21+$0x70] =	vst v0  }
0x11b: {  	v7 =	vld.idx.msk [tilespmem:v7+s5+$0x0], $0xffff;
	[tilespmem:s21+$0xFFFFFF90] =	vst v1  }
0x11c: {  	v15 =	vld.idx.msk [tilespmem:v15+s5+$0x0], $0xffff;
	[tilespmem:s21+$0xFFFFFFA0] =	vst v2  }
0x11d: {  	v8 =	vld.idx.msk [tilespmem:v8+s5+$0x0], $0xffff;
	[tilespmem:s21+$0xFFFFFFB0] =	vst v3  }
0x11e: {  	[tilespmem:s21+$0xFFFFFFC0] =	vst v4;
	v0 =	vld.idx.msk [tilespmem:v9+s5+$0x0], $0xffff  }
0x11f: {  	[tilespmem:s21+$0xFFFFFFD0] =	vst v5;
	v1 =	vld.idx.msk [tilespmem:v10+s5+$0x0], $0xffff  }
0x120: {  	[tilespmem:s21+$0xFFFFFFE0] =	vst v6;
	v2 =	vld.idx.msk [tilespmem:v11+s5+$0x0], $0xffff  }
0x121: {  	[tilespmem:s21+$0xFFFFFFF0] =	vst v7;
	v3 =	vld.idx.msk [tilespmem:v12+s5+$0x0], $0xffff  }
0x122: {  	[tilespmem:s21+$0xFFFFFF80] =	vst v15;
	v4 =	vld.idx.msk [tilespmem:v13+s5+$0x0], $0xffff  }
0x123: {  	s22 =	simm.s32 $0x0;
	s23 =	simm.s32 $0x1B8F0;
	[tilespmem:s21+$0x0] =	vst v8;
	v5 =	vld.idx.msk [tilespmem:v14+s5+$0x0], $0xffff  }
.LBB2_9:
0x124: {  	v6 =	vld [tilespmem:s23+$0x0];
	s22 =	sadd.s32 $0x10, s22;
	[tilespmem:s21+$0x10] =	vst v0  }
0x125: {  	v0 =	vld [tilespmem:s23+$0xFFFFFF20];
	p0 =	slt.u32 s22, $0xF0;
	[tilespmem:s21+$0x20] =	vst v1  }
0x126: {  	v1 =	vld [tilespmem:s23+$0xFFFFFF30];
	[tilespmem:s21+$0x30] =	vst v2  }
0x127: {  	v2 =	vld [tilespmem:s23+$0xFFFFFF40];
	[tilespmem:s21+$0x40] =	vst v3  }
0x128: {  	v3 =	vld [tilespmem:s23+$0xFFFFFF50];
	[tilespmem:s21+$0x50] =	vst v4  }
0x129: {  	v4 =	vld [tilespmem:s23+$0xFFFFFF60];
	[tilespmem:s21+$0x60] =	vst v5  }
0x12a: {  	v5 =	vld [tilespmem:s23+$0xFFFFFF70]  }
0x12b: {  	v7 =	vld [tilespmem:s23+$0xFFFFFF80]  }
0x12c: {  	v6 =	vld.idx.msk [tilespmem:v6+s5+$0x0], $0xffff  }
0x12d: {  	v8 =	vld [tilespmem:s23+$0xFFFFFF90]  }
0x12e: {  	v9 =	vld [tilespmem:s23+$0xFFFFFFA0]  }
0x12f: {  	v10 =	vld [tilespmem:s23+$0xFFFFFFB0]  }
0x130: {  	v11 =	vld [tilespmem:s23+$0xFFFFFFC0]  }
0x131: {  	s21 =	sadd.s32 $0x100, s21;
	v12 =	vld [tilespmem:s23+$0xFFFFFFD0]  }
0x132: {  	v13 =	vld [tilespmem:s23+$0xFFFFFFE0];
	[tilespmem:s21+$0x70] =	vst v6  }
0x133: {  	v6 =	vld [tilespmem:s23+$0xFFFFFFF0]  }
0x134: {  	v14 =	vld [tilespmem:s23+$0xFFFFFF10]  }
0x135: {  	v0 =	vld.idx.msk [tilespmem:v0+s5+$0x0], $0xffff  }
0x136: {  	v1 =	vld.idx.msk [tilespmem:v1+s5+$0x0], $0xffff  }
0x137: {  	v2 =	vld.idx.msk [tilespmem:v2+s5+$0x0], $0xffff  }
0x138: {  	v3 =	vld.idx.msk [tilespmem:v3+s5+$0x0], $0xffff  }
0x139: {  	v4 =	vld.idx.msk [tilespmem:v4+s5+$0x0], $0xffff  }
0x13a: {  	v5 =	vld.idx.msk [tilespmem:v5+s5+$0x0], $0xffff  }
0x13b: {  	[tilespmem:s21+$0xFFFFFF90] =	vst v0;
	v7 =	vld.idx.msk [tilespmem:v7+s5+$0x0], $0xffff  }
0x13c: {  	v14 =	vld.idx.msk [tilespmem:v14+s5+$0x0], $0xffff;
	[tilespmem:s21+$0xFFFFFFA0] =	vst v1  }
0x13d: {  	[tilespmem:s21+$0xFFFFFFB0] =	vst v2;
	v8 =	vld.idx.msk [tilespmem:v8+s5+$0x0], $0xffff  }
0x13e: {  	[tilespmem:s21+$0xFFFFFFC0] =	vst v3;
	v0 =	vld.idx.msk [tilespmem:v9+s5+$0x0], $0xffff  }
.Ltmp3:
0x13f: {  	[tilespmem:s21+$0xFFFFFFD0] =	vst v4;
	v1 =	vld.idx.msk [tilespmem:v10+s5+$0x0], $0xffff;
	(pc) =	sbr.rel @p0 .LBB2_9-.Ltmp3, $4  }
0x140: {  	[tilespmem:s21+$0xFFFFFFE0] =	vst v5;
	v2 =	vld.idx.msk [tilespmem:v11+s5+$0x0], $0xffff  }
0x141: {  	[tilespmem:s21+$0xFFFFFFF0] =	vst v7;
	v3 =	vld.idx.msk [tilespmem:v12+s5+$0x0], $0xffff  }
0x142: {  	[tilespmem:s21+$0xFFFFFF80] =	vst v14;
	v4 =	vld.idx.msk [tilespmem:v13+s5+$0x0], $0xffff  }
0x143: {  	s23 =	sadd.s32 $0x100, s23;
	[tilespmem:s21+$0x0] =	vst v8;
	v5 =	vld.idx.msk [tilespmem:v6+s5+$0x0], $0xffff  }
0x144: {  	[tilespmem:s21+$0x10] =	vst v0;
	s19 =	sadd.s32 $0x1, s19  }
0x145: {  	[tilespmem:s21+$0x20] =	vst v1;
	p0 =	sne.s32 s19, $0xD  }
.Ltmp4:
0x146: {  	[tilespmem:s21+$0x30] =	vst v2;
	(pc) =	sbr.rel @p0 .LBB2_2-.Ltmp4, $4  }
0x147: {  	[tilespmem:s21+$0x40] =	vst v3  }
0x148: {  	[tilespmem:s21+$0x50] =	vst v4  }
0x149: {  	s20 =	sadd.s32 s20, s9;
	[tilespmem:s21+$0x60] =	vst v5  }
0x14a: {  	[hbm4b:s20+s11] =	stream.strided.scatter [tilespmem:s16], [sflag:$0x2], $0x1000, s12, s11, $0x38;
	[tilespmem:$0x1E700] =	vst v63  }
0x14b: {  	s18 =	sadd.s32 $0x1, s18  }
0x14c: {  	_ =	swait.ge [sflag:s14], $0x1000;
	p0 =	sne.s32 s18, s10  }
.Ltmp5:
0x14d: {  	[sflag:s14] =	ssyncset.done $0x0;
	(pc) =	sbr.rel @p0 .LBB2_1-.Ltmp5, $4  }
0x14e: {  	[sflag:s14] =	ssyncadd.s32 $0xFFFFF000  }
0x14f: {  	_ =	swait.ge [sflag:s17], $0x1000  }
0x150: {  	[sflag:s17] =	ssyncset.done $0x0  }
0x151: {  	[sflag:s17] =	ssyncadd.s32 $0xFFFFF000  }
0x152: {  	_ =	sfence.sel $0x180000  }
0x153: {  	[bflag:$0x0] =	sbarrier.arrive $0xFFFF  }
0x154: {  	p0 =	sne.s32 s2, $0x0;
	_ =	strace $0x90000047  }
0x155: {  	s0 =	sadd.s32 @!p0 $0x100000, s0;
	[bflag:$0x2] =	sbarrier.arrive $0xFFFF  }
0x156: {  	[sflag:s0] =	ssyncadd.tile.s32 @!p0 $0x1;
	_ =	shalt  }
.Lfunc_end2:
_tile_overlayer_lowered:
.L_overlay_start_2:
0x157: {  	(tag) =	ssettag $0x2  }
0x158: {  	s0 =	rddreg [dreg:$0x0];
	s2 =	stileid.u32  }
0x159: {  	s1 =	rddreg [dreg:$0x1];
	p0 =	sne.s32 s2, $0x0  }
0x15a: {  	s3 =	rddreg [dreg:$0x2];
	[bflag:$0x3] =	sbarrier.arrive $0xFFFF;
	s2 =	simm.s32 @!p0 $0x1C03  }
0x15b: {  	[timem:s3], [sflag:s2] =	dma.local @!p0 [hbm:s0], s1  }
0x15c: {  	s0 =	simm.s32 @!p0 $0x3  }
0x15d: {  	_ =	swait.ge @!p0 [sflag:s0], s1  }
0x15e: {  	s1 =	ssub.s32 @!p0 $0x0, s1;
	[sflag:s0] =	ssyncset.done @!p0 $0x0  }
0x15f: {  	[sflag:s0] =	ssyncadd.s32 @!p0 s1  }
0x160: {  	[bflag:$0x3] =	sbarrier.arrive $0xFFFF  }
0x161: {  	_ =	shalt  }

</sc_bundles>
